<compile_context>
chip_gen: v7x
topology: tpu7x:2x2x1
jax: 0.10.2.dev20260603
libtpu: 0.0.44.dev20260713+nightly
codegen_flags: <defaults>
</compile_context>

<pallas_src>
import functools

import jax
import jax.numpy as jnp
from jax import lax
from jax.experimental import pallas as pl
from jax.experimental.pallas import tpu as pltpu
from jax.experimental.pallas import tpu_sc as plsc

SIGMA = 0.5
NC = 2
NS = 16
NW = NC * NS
CH = 128


def _normalize(a):
    return a / (jnp.sqrt(jnp.sum(a * a, axis=-1, keepdims=True)) + 1e-6)


def _embed(a, w):
    an = _normalize(a)
    wn = _normalize(w)
    d2 = (jnp.sum(an * an, axis=-1, keepdims=True)
          - 2.0 * lax.dot_general(an, wn, (((1,), (1,)), ((), ())),
                                  preferred_element_type=jnp.float32)
          + jnp.sum(wn * wn, axis=-1)[None, :])
    return jnp.exp(-d2 / (2.0 * SIGMA * SIGMA))


def _in_embed_tc(x_ref, w_ref, o_ref):
    o_ref[:] = _embed(x_ref[:], w_ref[:])


def _layer_tc(n, aggp_ref, degp_ref, mu_ref, wp_ref, h_ref, o_ref):
    agg = aggp_ref[0, :n, :] + aggp_ref[1, :n, :]
    deg = degp_ref[0, :n, 0:1] + degp_ref[1, :n, 0:1]
    agg = agg / jnp.maximum(deg, 1.0)
    score = (agg - mu_ref[:]) / (SIGMA * SIGMA)
    o_ref[:] = _embed(score, wp_ref[:]) + h_ref[:]


def _make_sc_agg(n_pad, h_dim, nch, with_deg):
    rpt = n_pad // NS
    kz = rpt // CH

    def body(src_hbm, dst_hbm, h_hbm, *refs):
        if with_deg:
            (agg_hbm, deg_hbm, agg_sh, deg_sh,
             src_v, dst_v, rows_v, ones_v, z16_v) = refs
        else:
            agg_hbm, agg_sh, src_v, dst_v, rows_v = refs
        c = lax.axis_index("c")
        s = lax.axis_index("s")
        wid = c * NS + s
        base = s * rpt

        zero16 = jnp.zeros((16,), jnp.float32)
        one16 = jnp.ones((16,), jnp.float32)

        def zrow(r, _):
            for cc in range(h_dim // 16):
                rows_v[r, pl.ds(cc * 16, 16)] = zero16
            if with_deg:
                ones_v[r, :] = one16
                z16_v[r, :] = zero16
            return 0
        lax.fori_loop(0, CH, zrow, 0)

        for k in range(kz):
            pltpu.sync_copy(rows_v, agg_sh.at[pl.ds(base + k * CH, CH)])
            if with_deg:
                pltpu.sync_copy(z16_v, deg_sh.at[pl.ds(base + k * CH, CH)])
        plsc.subcore_barrier()

        pltpu.sync_copy(src_hbm.at[wid], src_v)
        pltpu.sync_copy(dst_hbm.at[wid], dst_v)

        def chunk(j, _):
            pltpu.sync_copy(h_hbm.at[src_v.at[j]], rows_v)
            pltpu.sync_copy(rows_v, agg_sh.at[dst_v.at[j]], add=True)
            if with_deg:
                pltpu.sync_copy(ones_v, deg_sh.at[dst_v.at[j]], add=True)
            return 0
        lax.fori_loop(0, nch, chunk, 0)
        plsc.subcore_barrier()

        for k in range(kz):
            sl = pl.ds(base + k * CH, CH)
            pltpu.sync_copy(agg_sh.at[sl], agg_hbm.at[c, sl])
            if with_deg:
                pltpu.sync_copy(deg_sh.at[sl], deg_hbm.at[c, sl])

    out_type = [jax.ShapeDtypeStruct((NC, n_pad, h_dim), jnp.float32)]
    scratch = [
        pltpu.VMEM_SHARED((n_pad, h_dim), jnp.float32),
    ]
    if with_deg:
        out_type.append(jax.ShapeDtypeStruct((NC, n_pad, 16), jnp.float32))
        scratch.append(pltpu.VMEM_SHARED((n_pad, 16), jnp.float32))
    scratch += [
        pltpu.VMEM((nch, CH), jnp.int32),
        pltpu.VMEM((nch, CH), jnp.int32),
        pltpu.VMEM((CH, h_dim), jnp.float32),
    ]
    if with_deg:
        scratch += [
            pltpu.VMEM((CH, 16), jnp.float32),
            pltpu.VMEM((CH, 16), jnp.float32),
        ]

    mesh = plsc.VectorSubcoreMesh(core_axis_name="c", subcore_axis_name="s")
    return pl.kernel(body, out_type=tuple(out_type), mesh=mesh,
                     scratch_types=tuple(scratch),
                     compiler_params=pltpu.CompilerParams(
                         use_tc_tiling_on_sc=False))


def kernel(x, edge_index, W_in, mu0, Wp0, mu1, Wp1):
    n, _ = x.shape
    h_dim = W_in.shape[0]
    e = edge_index.shape[1]

    n_pad = -(-(n + 1) // (NS * CH)) * (NS * CH)
    ew = -(-e // NW)
    nch = -(-ew // CH)
    ewp = nch * CH

    src = edge_index[0]
    dst = edge_index[1]
    pad_total = NW * ewp - e
    src3 = jnp.pad(src, (0, pad_total)).reshape(NW, nch, CH)
    dst3 = jnp.pad(dst, (0, pad_total), constant_values=n).reshape(NW, nch, CH)

    in_embed = pl.pallas_call(
        _in_embed_tc,
        out_shape=jax.ShapeDtypeStruct((n, h_dim), jnp.float32),
    )
    layer = pl.pallas_call(
        functools.partial(_layer_tc, n),
        out_shape=jax.ShapeDtypeStruct((n, h_dim), jnp.float32),
    )
    sc_agg_deg = _make_sc_agg(n_pad, h_dim, nch, with_deg=True)
    sc_agg = _make_sc_agg(n_pad, h_dim, nch, with_deg=False)

    h0 = in_embed(x, W_in)
    aggp0, degp = sc_agg_deg(src3, dst3, h0)
    h1 = layer(aggp0, degp, mu0, Wp0, h0)
    (aggp1,) = sc_agg(src3, dst3, h1)
    h2 = layer(aggp1, degp, mu1, Wp1, h1)
    return h2

# --- scband reference (transcript-rebuilt; emitter-appended) ---
"""Pipeline reference for scband-sup-fienet-3968549782306 (READ-ONLY COPY).

The authoritative reference and input builder live on the scoring server;
editing this copy changes nothing except your own understanding.
"""

import jax, jax.numpy as jnp
import numpy as np

N, E, D, H, M, L = 10000, 320000, 128, 64, 1, 2
SIGMA = 0.5


def _l2norm(a):
    return a / (jnp.linalg.norm(a, axis=-1, keepdims=True) + 1e-6)


def _kernel_embed(a, W, sigma):
    # Gaussian kernel embedding against anchor points W (rows), on normalized inputs
    an = _l2norm(a)
    Wn = _l2norm(W)
    d2 = (jnp.sum(an * an, axis=-1, keepdims=True)
          - 2.0 * an @ Wn.T
          + jnp.sum(Wn * Wn, axis=-1)[None, :])
    return jnp.exp(-d2 / (2.0 * sigma * sigma))


def _fie_layer(h, edge_index, mu, Wp, sigma, n_nodes):
    src = edge_index[0]
    dst = edge_index[1]
    msg = jnp.take(h, src, axis=0)                                   # gather  [E, H]
    agg = jax.ops.segment_sum(msg, dst, num_segments=n_nodes)        # scatter-add [N, H]
    deg = jax.ops.segment_sum(jnp.ones_like(dst, dtype=h.dtype), dst, num_segments=n_nodes)
    agg = agg / jnp.maximum(deg, 1.0)[:, None]
    # Fisher score of a Gaussian mixture (num_mixtures components) w.r.t. means
    diff = agg[:, None, :] - mu[None, :, :]                          # [N, M, H]
    logits = -jnp.sum(diff * diff, axis=-1) / (2.0 * sigma * sigma)  # [N, M]
    w = jax.nn.softmax(logits, axis=-1)
    score = jnp.sum(w[:, :, None] * diff, axis=1) / (sigma * sigma)  # [N, H]
    out = _kernel_embed(score, Wp, sigma)                            # 'exp' kernel out_proj
    return out + h                                                   # residue=True


def setup_inputs(seed: int = 0) -> dict:
    key = jax.random.key(seed)
    ks = jax.random.split(key, 8)
    x = jax.random.normal(ks[0], (N, D), dtype=jnp.float32)
    edge_index = jax.random.randint(ks[1], (2, E), 0, N, dtype=jnp.int32)
    W_in = jax.random.normal(ks[2], (H, D), dtype=jnp.float32) / np.sqrt(D)
    mu0 = jax.random.normal(ks[3], (M, H), dtype=jnp.float32) * 0.1
    Wp0 = jax.random.normal(ks[4], (H, H), dtype=jnp.float32) / np.sqrt(H)
    mu1 = jax.random.normal(ks[5], (M, H), dtype=jnp.float32) * 0.1
    Wp1 = jax.random.normal(ks[6], (H, H), dtype=jnp.float32) / np.sqrt(H)
    return {"x": x, "edge_index": edge_index, "W_in": W_in,
            "mu0": mu0, "Wp0": Wp0, "mu1": mu1, "Wp1": Wp1}


def reference(x, edge_index, W_in, mu0, Wp0, mu1, Wp1):
    n_nodes = x.shape[0]
    h = _kernel_embed(x, W_in, SIGMA)            # in_head KernelLayer -> [N, H]
    h = _fie_layer(h, edge_index, mu0, Wp0, SIGMA, n_nodes)
    h = _fie_layer(h, edge_index, mu1, Wp1, SIGMA, n_nodes)
    return h                                      # SupFIENet.forward returns outputs[-1]

if __name__ == "__main__":
    import jax
    _d = setup_inputs()
    print(jax.jit(kernel)(*tuple(_d.values())))

</pallas_src>

<mosaic_0001>
#map = affine_map<(d0, d1) -> (0, 0, 0)>
#map1 = affine_map<(d0, d1) -> (0, 0)>
module attributes {stable_mosaic.version = 14 : i64} {
  func.func @body(%arg0: i32, %arg1: i32, %arg2: memref<32x79x128xi32, #tpu.memory_space<hbm>>, %arg3: memref<32x79x128xi32, #tpu.memory_space<hbm>>, %arg4: memref<10000x64xf32, #tpu.memory_space<hbm>>, %arg5: memref<2x10240x64xf32, #tpu.memory_space<hbm>>, %arg6: memref<10240x64xf32, #tpu.memory_space<vmem_shared>>, %arg7: memref<79x128xi32, #tpu.memory_space<vmem>>, %arg8: memref<79x128xi32, #tpu.memory_space<vmem>>, %arg9: memref<128x64xf32, #tpu.memory_space<vmem>>) attributes {dimension_semantics = [#tpu.dimension_semantics<core_parallel>, #tpu.dimension_semantics<subcore_parallel>], iteration_bounds = array<i64: 2, 16>, scalar_prefetch = 0 : i64, scratch_operands = 4 : i64, tpu.core_type = #tpu.core_type<sc_vector_subcore>, window_params = [{transform_indices = #map}, {transform_indices = #map}, {transform_indices = #map1}, {transform_indices = #map}]} {
    %mul3A = arith.constant 16 : i32
    %mul3A_0 = arith.muli %arg0, %mul3A : i32
    %add3A = arith.addi %mul3A_0, %arg1 : i32
    %mul3A_1 = arith.constant 640 : i32
    %mul3A_2 = arith.muli %arg1, %mul3A_1 : i32
    %broadcast_in_dim3A = arith.constant 0.000000e+00 : f32
    %broadcast_in_dim3A_3 = vector.broadcast %broadcast_in_dim3A : f32 to vector<16xf32>
    %broadcast_in_dim3A_4 = arith.constant 1.000000e+00 : f32
    %broadcast_in_dim3A_5 = vector.broadcast %broadcast_in_dim3A_4 : f32 to vector<16xf32>
    %scan3A = arith.constant 0 : i32
    %scan3A_6 = arith.constant 0 : i32
    %scan3A_7 = arith.constant 128 : i32
    %scan3A_8 = arith.addi %scan3A_6, %scan3A_7 : i32
    %scan3A_9 = arith.constant 1 : i32
    %scan3A_10 = scf.for %scan3A_40 = %scan3A_6 to %scan3A_8 step %scan3A_9 iter_args(%scan3A_41 = %scan3A) -> (i32)  : i32 {
      %swap3A = arith.index_cast %scan3A_40 : i32 to index
      %swap3A_42 = arith.constant 0 : index
      %swap3A_43 = tpu.vector_load %arg9[%swap3A, %swap3A_42] {strides = array<i32>} : memref<128x64xf32, #tpu.memory_space<vmem>>, vector<1x16xf32>,
      %swap3A_44 = vector.shape_cast %swap3A_43 : vector<1x16xf32> to vector<16xf32>
      %swap3A_45 = vector.shape_cast %broadcast_in_dim3A_3 : vector<16xf32> to vector<1x16xf32>
      tpu.vector_store %arg9[%swap3A, %swap3A_42], %swap3A_45 {strides = array<i32>} : memref<128x64xf32, #tpu.memory_space<vmem>>, vector<1x16xf32>,
      %swap3A_46 = arith.index_cast %scan3A_40 : i32 to index
      %swap3A_47 = arith.constant 16 : index
      %swap3A_48 = tpu.vector_load %arg9[%swap3A_46, %swap3A_47] {strides = array<i32>} : memref<128x64xf32, #tpu.memory_space<vmem>>, vector<1x16xf32>,
      %swap3A_49 = vector.shape_cast %swap3A_48 : vector<1x16xf32> to vector<16xf32>
      %swap3A_50 = vector.shape_cast %broadcast_in_dim3A_3 : vector<16xf32> to vector<1x16xf32>
      tpu.vector_store %arg9[%swap3A_46, %swap3A_47], %swap3A_50 {strides = array<i32>} : memref<128x64xf32, #tpu.memory_space<vmem>>, vector<1x16xf32>,
      %swap3A_51 = arith.index_cast %scan3A_40 : i32 to index
      %swap3A_52 = arith.constant 32 : index
      %swap3A_53 = tpu.vector_load %arg9[%swap3A_51, %swap3A_52] {strides = array<i32>} : memref<128x64xf32, #tpu.memory_space<vmem>>, vector<1x16xf32>,
      %swap3A_54 = vector.shape_cast %swap3A_53 : vector<1x16xf32> to vector<16xf32>
      %swap3A_55 = vector.shape_cast %broadcast_in_dim3A_3 : vector<16xf32> to vector<1x16xf32>
      tpu.vector_store %arg9[%swap3A_51, %swap3A_52], %swap3A_55 {strides = array<i32>} : memref<128x64xf32, #tpu.memory_space<vmem>>, vector<1x16xf32>,
      %swap3A_56 = arith.index_cast %scan3A_40 : i32 to index
      %swap3A_57 = arith.constant 48 : index
      %swap3A_58 = tpu.vector_load %arg9[%swap3A_56, %swap3A_57] {strides = array<i32>} : memref<128x64xf32, #tpu.memory_space<vmem>>, vector<1x16xf32>,
      %swap3A_59 = vector.shape_cast %swap3A_58 : vector<1x16xf32> to vector<16xf32>
      %swap3A_60 = vector.shape_cast %broadcast_in_dim3A_3 : vector<16xf32> to vector<1x16xf32>
      tpu.vector_store %arg9[%swap3A_56, %swap3A_57], %swap3A_60 {strides = array<i32>} : memref<128x64xf32, #tpu.memory_space<vmem>>, vector<1x16xf32>,
      %scan3A_61 = arith.constant 0 : i32
      scf.yield %scan3A_61 : i32
    }
    %scan3A_11 = arith.constant 128 : i32
    %add3A_12 = arith.constant 0 : i32
    %add3A_13 = arith.addi %mul3A_2, %add3A_12 : i32
    "tpu.region"() ({
      %run_scoped3A = tpu.sem_alloc : memref<!tpu.dma_semaphore, #tpu.memory_space<semaphore_mem>>
      %dma_start3A = arith.constant 0 : i32
      %dma_start3A_40 = tpu.memref_slice %arg6[%add3A_13, %dma_start3A] : memref<10240x64xf32, #tpu.memory_space<vmem_shared>> -> memref<128x64xf32, #tpu.memory_space<vmem_shared>>
      %dma_start3A_41 = arith.constant 0 : i32
      %dma_start3A_42 = tpu.memref_slice %arg6[%add3A_13, %dma_start3A_41] : memref<10240x64xf32, #tpu.memory_space<vmem_shared>> -> memref<128x64xf32, #tpu.memory_space<vmem_shared>>
      tpu.enqueue_dma source(%arg9 : memref<128x64xf32, #tpu.memory_space<vmem>>) target(%dma_start3A_42 : memref<128x64xf32, #tpu.memory_space<vmem_shared>>) target_semaphore(%run_scoped3A : memref<!tpu.dma_semaphore, #tpu.memory_space<semaphore_mem>>)
      %dma_wait3A = arith.constant 0 : i32
      %dma_wait3A_43 = tpu.memref_slice %arg6[%add3A_13, %dma_wait3A] : memref<10240x64xf32, #tpu.memory_space<vmem_shared>> -> memref<128x64xf32, #tpu.memory_space<vmem_shared>>
      %dma_wait3A_44 = arith.constant 0 : i32
      %dma_wait3A_45 = tpu.memref_slice %arg6[%add3A_13, %dma_wait3A_44] : memref<10240x64xf32, #tpu.memory_space<vmem_shared>> -> memref<128x64xf32, #tpu.memory_space<vmem_shared>>
      tpu.wait_dma2 semaphore(%run_scoped3A : memref<!tpu.dma_semaphore, #tpu.memory_space<semaphore_mem>>) src(%arg9 : memref<128x64xf32, #tpu.memory_space<vmem>>) dst(%dma_wait3A_45 : memref<128x64xf32, #tpu.memory_space<vmem_shared>>)
      tpu.yield
    }) : () -> ()
    %add3A_14 = arith.constant 128 : i32
    %add3A_15 = arith.addi %mul3A_2, %add3A_14 : i32
    "tpu.region"() ({
      %run_scoped3A = tpu.sem_alloc : memref<!tpu.dma_semaphore, #tpu.memory_space<semaphore_mem>>
      %dma_start3A = arith.constant 0 : i32
      %dma_start3A_40 = tpu.memref_slice %arg6[%add3A_15, %dma_start3A] : memref<10240x64xf32, #tpu.memory_space<vmem_shared>> -> memref<128x64xf32, #tpu.memory_space<vmem_shared>>
      %dma_start3A_41 = arith.constant 0 : i32
      %dma_start3A_42 = tpu.memref_slice %arg6[%add3A_15, %dma_start3A_41] : memref<10240x64xf32, #tpu.memory_space<vmem_shared>> -> memref<128x64xf32, #tpu.memory_space<vmem_shared>>
      tpu.enqueue_dma source(%arg9 : memref<128x64xf32, #tpu.memory_space<vmem>>) target(%dma_start3A_42 : memref<128x64xf32, #tpu.memory_space<vmem_shared>>) target_semaphore(%run_scoped3A : memref<!tpu.dma_semaphore, #tpu.memory_space<semaphore_mem>>)
      %dma_wait3A = arith.constant 0 : i32
      %dma_wait3A_43 = tpu.memref_slice %arg6[%add3A_15, %dma_wait3A] : memref<10240x64xf32, #tpu.memory_space<vmem_shared>> -> memref<128x64xf32, #tpu.memory_space<vmem_shared>>
      %dma_wait3A_44 = arith.constant 0 : i32
      %dma_wait3A_45 = tpu.memref_slice %arg6[%add3A_15, %dma_wait3A_44] : memref<10240x64xf32, #tpu.memory_space<vmem_shared>> -> memref<128x64xf32, #tpu.memory_space<vmem_shared>>
      tpu.wait_dma2 semaphore(%run_scoped3A : memref<!tpu.dma_semaphore, #tpu.memory_space<semaphore_mem>>) src(%arg9 : memref<128x64xf32, #tpu.memory_space<vmem>>) dst(%dma_wait3A_45 : memref<128x64xf32, #tpu.memory_space<vmem_shared>>)
      tpu.yield
    }) : () -> ()
    %add3A_16 = arith.constant 256 : i32
    %add3A_17 = arith.addi %mul3A_2, %add3A_16 : i32
    "tpu.region"() ({
      %run_scoped3A = tpu.sem_alloc : memref<!tpu.dma_semaphore, #tpu.memory_space<semaphore_mem>>
      %dma_start3A = arith.constant 0 : i32
      %dma_start3A_40 = tpu.memref_slice %arg6[%add3A_17, %dma_start3A] : memref<10240x64xf32, #tpu.memory_space<vmem_shared>> -> memref<128x64xf32, #tpu.memory_space<vmem_shared>>
      %dma_start3A_41 = arith.constant 0 : i32
      %dma_start3A_42 = tpu.memref_slice %arg6[%add3A_17, %dma_start3A_41] : memref<10240x64xf32, #tpu.memory_space<vmem_shared>> -> memref<128x64xf32, #tpu.memory_space<vmem_shared>>
      tpu.enqueue_dma source(%arg9 : memref<128x64xf32, #tpu.memory_space<vmem>>) target(%dma_start3A_42 : memref<128x64xf32, #tpu.memory_space<vmem_shared>>) target_semaphore(%run_scoped3A : memref<!tpu.dma_semaphore, #tpu.memory_space<semaphore_mem>>)
      %dma_wait3A = arith.constant 0 : i32
      %dma_wait3A_43 = tpu.memref_slice %arg6[%add3A_17, %dma_wait3A] : memref<10240x64xf32, #tpu.memory_space<vmem_shared>> -> memref<128x64xf32, #tpu.memory_space<vmem_shared>>
      %dma_wait3A_44 = arith.constant 0 : i32
      %dma_wait3A_45 = tpu.memref_slice %arg6[%add3A_17, %dma_wait3A_44] : memref<10240x64xf32, #tpu.memory_space<vmem_shared>> -> memref<128x64xf32, #tpu.memory_space<vmem_shared>>
      tpu.wait_dma2 semaphore(%run_scoped3A : memref<!tpu.dma_semaphore, #tpu.memory_space<semaphore_mem>>) src(%arg9 : memref<128x64xf32, #tpu.memory_space<vmem>>) dst(%dma_wait3A_45 : memref<128x64xf32, #tpu.memory_space<vmem_shared>>)
      tpu.yield
    }) : () -> ()
    %add3A_18 = arith.constant 384 : i32
    %add3A_19 = arith.addi %mul3A_2, %add3A_18 : i32
    "tpu.region"() ({
      %run_scoped3A = tpu.sem_alloc : memref<!tpu.dma_semaphore, #tpu.memory_space<semaphore_mem>>
      %dma_start3A = arith.constant 0 : i32
      %dma_start3A_40 = tpu.memref_slice %arg6[%add3A_19, %dma_start3A] : memref<10240x64xf32, #tpu.memory_space<vmem_shared>> -> memref<128x64xf32, #tpu.memory_space<vmem_shared>>
      %dma_start3A_41 = arith.constant 0 : i32
      %dma_start3A_42 = tpu.memref_slice %arg6[%add3A_19, %dma_start3A_41] : memref<10240x64xf32, #tpu.memory_space<vmem_shared>> -> memref<128x64xf32, #tpu.memory_space<vmem_shared>>
      tpu.enqueue_dma source(%arg9 : memref<128x64xf32, #tpu.memory_space<vmem>>) target(%dma_start3A_42 : memref<128x64xf32, #tpu.memory_space<vmem_shared>>) target_semaphore(%run_scoped3A : memref<!tpu.dma_semaphore, #tpu.memory_space<semaphore_mem>>)
      %dma_wait3A = arith.constant 0 : i32
      %dma_wait3A_43 = tpu.memref_slice %arg6[%add3A_19, %dma_wait3A] : memref<10240x64xf32, #tpu.memory_space<vmem_shared>> -> memref<128x64xf32, #tpu.memory_space<vmem_shared>>
      %dma_wait3A_44 = arith.constant 0 : i32
      %dma_wait3A_45 = tpu.memref_slice %arg6[%add3A_19, %dma_wait3A_44] : memref<10240x64xf32, #tpu.memory_space<vmem_shared>> -> memref<128x64xf32, #tpu.memory_space<vmem_shared>>
      tpu.wait_dma2 semaphore(%run_scoped3A : memref<!tpu.dma_semaphore, #tpu.memory_space<semaphore_mem>>) src(%arg9 : memref<128x64xf32, #tpu.memory_space<vmem>>) dst(%dma_wait3A_45 : memref<128x64xf32, #tpu.memory_space<vmem_shared>>)
      tpu.yield
    }) : () -> ()
    %add3A_20 = arith.constant 512 : i32
    %add3A_21 = arith.addi %mul3A_2, %add3A_20 : i32
    "tpu.region"() ({
      %run_scoped3A = tpu.sem_alloc : memref<!tpu.dma_semaphore, #tpu.memory_space<semaphore_mem>>
      %dma_start3A = arith.constant 0 : i32
      %dma_start3A_40 = tpu.memref_slice %arg6[%add3A_21, %dma_start3A] : memref<10240x64xf32, #tpu.memory_space<vmem_shared>> -> memref<128x64xf32, #tpu.memory_space<vmem_shared>>
      %dma_start3A_41 = arith.constant 0 : i32
      %dma_start3A_42 = tpu.memref_slice %arg6[%add3A_21, %dma_start3A_41] : memref<10240x64xf32, #tpu.memory_space<vmem_shared>> -> memref<128x64xf32, #tpu.memory_space<vmem_shared>>
      tpu.enqueue_dma source(%arg9 : memref<128x64xf32, #tpu.memory_space<vmem>>) target(%dma_start3A_42 : memref<128x64xf32, #tpu.memory_space<vmem_shared>>) target_semaphore(%run_scoped3A : memref<!tpu.dma_semaphore, #tpu.memory_space<semaphore_mem>>)
      %dma_wait3A = arith.constant 0 : i32
      %dma_wait3A_43 = tpu.memref_slice %arg6[%add3A_21, %dma_wait3A] : memref<10240x64xf32, #tpu.memory_space<vmem_shared>> -> memref<128x64xf32, #tpu.memory_space<vmem_shared>>
      %dma_wait3A_44 = arith.constant 0 : i32
      %dma_wait3A_45 = tpu.memref_slice %arg6[%add3A_21, %dma_wait3A_44] : memref<10240x64xf32, #tpu.memory_space<vmem_shared>> -> memref<128x64xf32, #tpu.memory_space<vmem_shared>>
      tpu.wait_dma2 semaphore(%run_scoped3A : memref<!tpu.dma_semaphore, #tpu.memory_space<semaphore_mem>>) src(%arg9 : memref<128x64xf32, #tpu.memory_space<vmem>>) dst(%dma_wait3A_45 : memref<128x64xf32, #tpu.memory_space<vmem_shared>>)
      tpu.yield
    }) : () -> ()
    %barrier3A = arith.constant 0 : index
    tpu.barrier barrier_id(%barrier3A)
    "tpu.region"() ({
      %run_scoped3A = tpu.sem_alloc : memref<!tpu.dma_semaphore, #tpu.memory_space<semaphore_mem>>
      %dma_start3A = arith.constant 0 : i32
      %dma_start3A_40 = arith.constant 0 : i32
      %dma_start3A_41 = tpu.memref_slice %arg2[%add3A, %dma_start3A, %dma_start3A_40] : memref<32x79x128xi32, #tpu.memory_space<hbm>> -> memref<1x79x128xi32, #tpu.memory_space<hbm>>
      %dma_start3A_42 = tpu.memref_squeeze %dma_start3A_41 : memref<1x79x128xi32, #tpu.memory_space<hbm>> -> memref<79x128xi32, #tpu.memory_space<hbm>>
      %dma_start3A_43 = arith.constant 0 : i32
      %dma_start3A_44 = arith.constant 0 : i32
      %dma_start3A_45 = tpu.memref_slice %arg2[%add3A, %dma_start3A_43, %dma_start3A_44] : memref<32x79x128xi32, #tpu.memory_space<hbm>> -> memref<1x79x128xi32, #tpu.memory_space<hbm>>
      %dma_start3A_46 = tpu.memref_squeeze %dma_start3A_45 : memref<1x79x128xi32, #tpu.memory_space<hbm>> -> memref<79x128xi32, #tpu.memory_space<hbm>>
      tpu.enqueue_dma source(%dma_start3A_46 : memref<79x128xi32, #tpu.memory_space<hbm>>) target(%arg7 : memref<79x128xi32, #tpu.memory_space<vmem>>) target_semaphore(%run_scoped3A : memref<!tpu.dma_semaphore, #tpu.memory_space<semaphore_mem>>)
      %dma_wait3A = arith.constant 0 : i32
      %dma_wait3A_47 = arith.constant 0 : i32
      %dma_wait3A_48 = tpu.memref_slice %arg2[%add3A, %dma_wait3A, %dma_wait3A_47] : memref<32x79x128xi32, #tpu.memory_space<hbm>> -> memref<1x79x128xi32, #tpu.memory_space<hbm>>
      %dma_wait3A_49 = tpu.memref_squeeze %dma_wait3A_48 : memref<1x79x128xi32, #tpu.memory_space<hbm>> -> memref<79x128xi32, #tpu.memory_space<hbm>>
      %dma_wait3A_50 = arith.constant 0 : i32
      %dma_wait3A_51 = arith.constant 0 : i32
      %dma_wait3A_52 = tpu.memref_slice %arg2[%add3A, %dma_wait3A_50, %dma_wait3A_51] : memref<32x79x128xi32, #tpu.memory_space<hbm>> -> memref<1x79x128xi32, #tpu.memory_space<hbm>>
      %dma_wait3A_53 = tpu.memref_squeeze %dma_wait3A_52 : memref<1x79x128xi32, #tpu.memory_space<hbm>> -> memref<79x128xi32, #tpu.memory_space<hbm>>
      tpu.wait_dma2 semaphore(%run_scoped3A : memref<!tpu.dma_semaphore, #tpu.memory_space<semaphore_mem>>) src(%dma_wait3A_53 : memref<79x128xi32, #tpu.memory_space<hbm>>) dst(%arg7 : memref<79x128xi32, #tpu.memory_space<vmem>>)
      tpu.yield
    }) : () -> ()
    "tpu.region"() ({
      %run_scoped3A = tpu.sem_alloc : memref<!tpu.dma_semaphore, #tpu.memory_space<semaphore_mem>>
      %dma_start3A = arith.constant 0 : i32
      %dma_start3A_40 = arith.constant 0 : i32
      %dma_start3A_41 = tpu.memref_slice %arg3[%add3A, %dma_start3A, %dma_start3A_40] : memref<32x79x128xi32, #tpu.memory_space<hbm>> -> memref<1x79x128xi32, #tpu.memory_space<hbm>>
      %dma_start3A_42 = tpu.memref_squeeze %dma_start3A_41 : memref<1x79x128xi32, #tpu.memory_space<hbm>> -> memref<79x128xi32, #tpu.memory_space<hbm>>
      %dma_start3A_43 = arith.constant 0 : i32
      %dma_start3A_44 = arith.constant 0 : i32
      %dma_start3A_45 = tpu.memref_slice %arg3[%add3A, %dma_start3A_43, %dma_start3A_44] : memref<32x79x128xi32, #tpu.memory_space<hbm>> -> memref<1x79x128xi32, #tpu.memory_space<hbm>>
      %dma_start3A_46 = tpu.memref_squeeze %dma_start3A_45 : memref<1x79x128xi32, #tpu.memory_space<hbm>> -> memref<79x128xi32, #tpu.memory_space<hbm>>
      tpu.enqueue_dma source(%dma_start3A_46 : memref<79x128xi32, #tpu.memory_space<hbm>>) target(%arg8 : memref<79x128xi32, #tpu.memory_space<vmem>>) target_semaphore(%run_scoped3A : memref<!tpu.dma_semaphore, #tpu.memory_space<semaphore_mem>>)
      %dma_wait3A = arith.constant 0 : i32
      %dma_wait3A_47 = arith.constant 0 : i32
      %dma_wait3A_48 = tpu.memref_slice %arg3[%add3A, %dma_wait3A, %dma_wait3A_47] : memref<32x79x128xi32, #tpu.memory_space<hbm>> -> memref<1x79x128xi32, #tpu.memory_space<hbm>>
      %dma_wait3A_49 = tpu.memref_squeeze %dma_wait3A_48 : memref<1x79x128xi32, #tpu.memory_space<hbm>> -> memref<79x128xi32, #tpu.memory_space<hbm>>
      %dma_wait3A_50 = arith.constant 0 : i32
      %dma_wait3A_51 = arith.constant 0 : i32
      %dma_wait3A_52 = tpu.memref_slice %arg3[%add3A, %dma_wait3A_50, %dma_wait3A_51] : memref<32x79x128xi32, #tpu.memory_space<hbm>> -> memref<1x79x128xi32, #tpu.memory_space<hbm>>
      %dma_wait3A_53 = tpu.memref_squeeze %dma_wait3A_52 : memref<1x79x128xi32, #tpu.memory_space<hbm>> -> memref<79x128xi32, #tpu.memory_space<hbm>>
      tpu.wait_dma2 semaphore(%run_scoped3A : memref<!tpu.dma_semaphore, #tpu.memory_space<semaphore_mem>>) src(%dma_wait3A_53 : memref<79x128xi32, #tpu.memory_space<hbm>>) dst(%arg8 : memref<79x128xi32, #tpu.memory_space<vmem>>)
      tpu.yield
    }) : () -> ()
    %scan3A_22 = arith.constant 0 : i32
    %scan3A_23 = arith.constant 0 : i32
    %scan3A_24 = arith.constant 79 : i32
    %scan3A_25 = arith.addi %scan3A_23, %scan3A_24 : i32
    %scan3A_26 = arith.constant 1 : i32
    %scan3A_27 = scf.for %scan3A_40 = %scan3A_23 to %scan3A_25 step %scan3A_26 iter_args(%scan3A_41 = %scan3A_22) -> (i32)  : i32 {
      "tpu.region"() ({
        %run_scoped3A = tpu.sem_alloc : memref<!tpu.dma_semaphore, #tpu.memory_space<semaphore_mem>>
        %dma_start3A = arith.constant 0 : i32
        %dma_start3A_43 = tpu.memref_slice %arg7[%scan3A_40, %dma_start3A] : memref<79x128xi32, #tpu.memory_space<vmem>> -> memref<1x128xi32, #tpu.memory_space<vmem>>
        %dma_start3A_44 = tpu.memref_squeeze %dma_start3A_43 : memref<1x128xi32, #tpu.memory_space<vmem>> -> memref<128xi32, #tpu.memory_space<vmem>>
        %dma_start3A_45 = arith.constant 0 : i32
        %dma_start3A_46 = arith.constant 0 : i32
        %dma_start3A_47 = tpu.memref_slice %arg4[%dma_start3A_45, %dma_start3A_46] : memref<10000x64xf32, #tpu.memory_space<hbm>> -> memref<10000x64xf32, #tpu.memory_space<hbm>>
        tpu.enqueue_indirect_dma source(%dma_start3A_47 : memref<10000x64xf32, #tpu.memory_space<hbm>>) target(%arg9 : memref<128x64xf32, #tpu.memory_space<vmem>>) offsets(%dma_start3A_44 : memref<128xi32, #tpu.memory_space<vmem>>) semaphore(%run_scoped3A : memref<!tpu.dma_semaphore, #tpu.memory_space<semaphore_mem>>)
        %dma_wait3A = arith.constant 0 : i32
        %dma_wait3A_48 = tpu.memref_slice %arg7[%scan3A_40, %dma_wait3A] : memref<79x128xi32, #tpu.memory_space<vmem>> -> memref<1x128xi32, #tpu.memory_space<vmem>>
        %dma_wait3A_49 = tpu.memref_squeeze %dma_wait3A_48 : memref<1x128xi32, #tpu.memory_space<vmem>> -> memref<128xi32, #tpu.memory_space<vmem>>
        %dma_wait3A_50 = arith.constant 0 : i32
        %dma_wait3A_51 = arith.constant 0 : i32
        %dma_wait3A_52 = tpu.memref_slice %arg4[%dma_wait3A_50, %dma_wait3A_51] : memref<10000x64xf32, #tpu.memory_space<hbm>> -> memref<10000x64xf32, #tpu.memory_space<hbm>>
        tpu.wait_indirect_dma semaphore(%run_scoped3A : memref<!tpu.dma_semaphore, #tpu.memory_space<semaphore_mem>>) src(%dma_wait3A_52 : memref<10000x64xf32, #tpu.memory_space<hbm>>) dst(%arg9 : memref<128x64xf32, #tpu.memory_space<vmem>>)
        tpu.yield
      }) : () -> ()
      "tpu.region"() ({
        %run_scoped3A = tpu.sem_alloc : memref<!tpu.dma_semaphore, #tpu.memory_space<semaphore_mem>>
        %dma_start3A = arith.constant 0 : i32
        %dma_start3A_43 = tpu.memref_slice %arg8[%scan3A_40, %dma_start3A] : memref<79x128xi32, #tpu.memory_space<vmem>> -> memref<1x128xi32, #tpu.memory_space<vmem>>
        %dma_start3A_44 = tpu.memref_squeeze %dma_start3A_43 : memref<1x128xi32, #tpu.memory_space<vmem>> -> memref<128xi32, #tpu.memory_space<vmem>>
        %dma_start3A_45 = arith.constant 0 : i32
        %dma_start3A_46 = arith.constant 0 : i32
        %dma_start3A_47 = tpu.memref_slice %arg6[%dma_start3A_45, %dma_start3A_46] : memref<10240x64xf32, #tpu.memory_space<vmem_shared>> -> memref<10240x64xf32, #tpu.memory_space<vmem_shared>>
        tpu.enqueue_indirect_dma source(%arg9 : memref<128x64xf32, #tpu.memory_space<vmem>>) target(%dma_start3A_47 : memref<10240x64xf32, #tpu.memory_space<vmem_shared>>) offsets(%dma_start3A_44 : memref<128xi32, #tpu.memory_space<vmem>>) semaphore(%run_scoped3A : memref<!tpu.dma_semaphore, #tpu.memory_space<semaphore_mem>>) {add = true}
        %dma_wait3A = arith.constant 0 : i32
        %dma_wait3A_48 = tpu.memref_slice %arg8[%scan3A_40, %dma_wait3A] : memref<79x128xi32, #tpu.memory_space<vmem>> -> memref<1x128xi32, #tpu.memory_space<vmem>>
        %dma_wait3A_49 = tpu.memref_squeeze %dma_wait3A_48 : memref<1x128xi32, #tpu.memory_space<vmem>> -> memref<128xi32, #tpu.memory_space<vmem>>
        %dma_wait3A_50 = arith.constant 0 : i32
        %dma_wait3A_51 = arith.constant 0 : i32
        %dma_wait3A_52 = tpu.memref_slice %arg6[%dma_wait3A_50, %dma_wait3A_51] : memref<10240x64xf32, #tpu.memory_space<vmem_shared>> -> memref<10240x64xf32, #tpu.memory_space<vmem_shared>>
        tpu.wait_indirect_dma semaphore(%run_scoped3A : memref<!tpu.dma_semaphore, #tpu.memory_space<semaphore_mem>>) src(%arg9 : memref<128x64xf32, #tpu.memory_space<vmem>>) dst(%dma_wait3A_52 : memref<10240x64xf32, #tpu.memory_space<vmem_shared>>)
        tpu.yield
      }) : () -> ()
      %scan3A_42 = arith.constant 0 : i32
      scf.yield %scan3A_42 : i32
    }
    %scan3A_28 = arith.constant 79 : i32
    %barrier3A_29 = arith.constant 0 : index
    tpu.barrier barrier_id(%barrier3A_29)
    %add3A_30 = arith.constant 0 : i32
    %add3A_31 = arith.addi %mul3A_2, %add3A_30 : i32
    "tpu.region"() ({
      %run_scoped3A = tpu.sem_alloc : memref<!tpu.dma_semaphore, #tpu.memory_space<semaphore_mem>>
      %dma_start3A = arith.constant 0 : i32
      %dma_start3A_40 = tpu.memref_slice %arg5[%arg0, %add3A_31, %dma_start3A] : memref<2x10240x64xf32, #tpu.memory_space<hbm>> -> memref<1x128x64xf32, #tpu.memory_space<hbm>>
      %dma_start3A_41 = tpu.memref_squeeze %dma_start3A_40 : memref<1x128x64xf32, #tpu.memory_space<hbm>> -> memref<128x64xf32, #tpu.memory_space<hbm>>
      %dma_start3A_42 = arith.constant 0 : i32
      %dma_start3A_43 = tpu.memref_slice %arg6[%add3A_31, %dma_start3A_42] : memref<10240x64xf32, #tpu.memory_space<vmem_shared>> -> memref<128x64xf32, #tpu.memory_space<vmem_shared>>
      tpu.enqueue_dma source(%dma_start3A_43 : memref<128x64xf32, #tpu.memory_space<vmem_shared>>) target(%dma_start3A_41 : memref<128x64xf32, #tpu.memory_space<hbm>>) target_semaphore(%run_scoped3A : memref<!tpu.dma_semaphore, #tpu.memory_space<semaphore_mem>>)
      %dma_wait3A = arith.constant 0 : i32
      %dma_wait3A_44 = tpu.memref_slice %arg5[%arg0, %add3A_31, %dma_wait3A] : memref<2x10240x64xf32, #tpu.memory_space<hbm>> -> memref<1x128x64xf32, #tpu.memory_space<hbm>>
      %dma_wait3A_45 = tpu.memref_squeeze %dma_wait3A_44 : memref<1x128x64xf32, #tpu.memory_space<hbm>> -> memref<128x64xf32, #tpu.memory_space<hbm>>
      %dma_wait3A_46 = arith.constant 0 : i32
      %dma_wait3A_47 = tpu.memref_slice %arg6[%add3A_31, %dma_wait3A_46] : memref<10240x64xf32, #tpu.memory_space<vmem_shared>> -> memref<128x64xf32, #tpu.memory_space<vmem_shared>>
      tpu.wait_dma2 semaphore(%run_scoped3A : memref<!tpu.dma_semaphore, #tpu.memory_space<semaphore_mem>>) src(%dma_wait3A_47 : memref<128x64xf32, #tpu.memory_space<vmem_shared>>) dst(%dma_wait3A_45 : memref<128x64xf32, #tpu.memory_space<hbm>>)
      tpu.yield
    }) : () -> ()
    %add3A_32 = arith.constant 128 : i32
    %add3A_33 = arith.addi %mul3A_2, %add3A_32 : i32
    "tpu.region"() ({
      %run_scoped3A = tpu.sem_alloc : memref<!tpu.dma_semaphore, #tpu.memory_space<semaphore_mem>>
      %dma_start3A = arith.constant 0 : i32
      %dma_start3A_40 = tpu.memref_slice %arg5[%arg0, %add3A_33, %dma_start3A] : memref<2x10240x64xf32, #tpu.memory_space<hbm>> -> memref<1x128x64xf32, #tpu.memory_space<hbm>>
      %dma_start3A_41 = tpu.memref_squeeze %dma_start3A_40 : memref<1x128x64xf32, #tpu.memory_space<hbm>> -> memref<128x64xf32, #tpu.memory_space<hbm>>
      %dma_start3A_42 = arith.constant 0 : i32
      %dma_start3A_43 = tpu.memref_slice %arg6[%add3A_33, %dma_start3A_42] : memref<10240x64xf32, #tpu.memory_space<vmem_shared>> -> memref<128x64xf32, #tpu.memory_space<vmem_shared>>
      tpu.enqueue_dma source(%dma_start3A_43 : memref<128x64xf32, #tpu.memory_space<vmem_shared>>) target(%dma_start3A_41 : memref<128x64xf32, #tpu.memory_space<hbm>>) target_semaphore(%run_scoped3A : memref<!tpu.dma_semaphore, #tpu.memory_space<semaphore_mem>>)
      %dma_wait3A = arith.constant 0 : i32
      %dma_wait3A_44 = tpu.memref_slice %arg5[%arg0, %add3A_33, %dma_wait3A] : memref<2x10240x64xf32, #tpu.memory_space<hbm>> -> memref<1x128x64xf32, #tpu.memory_space<hbm>>
      %dma_wait3A_45 = tpu.memref_squeeze %dma_wait3A_44 : memref<1x128x64xf32, #tpu.memory_space<hbm>> -> memref<128x64xf32, #tpu.memory_space<hbm>>
      %dma_wait3A_46 = arith.constant 0 : i32
      %dma_wait3A_47 = tpu.memref_slice %arg6[%add3A_33, %dma_wait3A_46] : memref<10240x64xf32, #tpu.memory_space<vmem_shared>> -> memref<128x64xf32, #tpu.memory_space<vmem_shared>>
      tpu.wait_dma2 semaphore(%run_scoped3A : memref<!tpu.dma_semaphore, #tpu.memory_space<semaphore_mem>>) src(%dma_wait3A_47 : memref<128x64xf32, #tpu.memory_space<vmem_shared>>) dst(%dma_wait3A_45 : memref<128x64xf32, #tpu.memory_space<hbm>>)
      tpu.yield
    }) : () -> ()
    %add3A_34 = arith.constant 256 : i32
    %add3A_35 = arith.addi %mul3A_2, %add3A_34 : i32
    "tpu.region"() ({
      %run_scoped3A = tpu.sem_alloc : memref<!tpu.dma_semaphore, #tpu.memory_space<semaphore_mem>>
      %dma_start3A = arith.constant 0 : i32
      %dma_start3A_40 = tpu.memref_slice %arg5[%arg0, %add3A_35, %dma_start3A] : memref<2x10240x64xf32, #tpu.memory_space<hbm>> -> memref<1x128x64xf32, #tpu.memory_space<hbm>>
      %dma_start3A_41 = tpu.memref_squeeze %dma_start3A_40 : memref<1x128x64xf32, #tpu.memory_space<hbm>> -> memref<128x64xf32, #tpu.memory_space<hbm>>
      %dma_start3A_42 = arith.constant 0 : i32
      %dma_start3A_43 = tpu.memref_slice %arg6[%add3A_35, %dma_start3A_42] : memref<10240x64xf32, #tpu.memory_space<vmem_shared>> -> memref<128x64xf32, #tpu.memory_space<vmem_shared>>
      tpu.enqueue_dma source(%dma_start3A_43 : memref<128x64xf32, #tpu.memory_space<vmem_shared>>) target(%dma_start3A_41 : memref<128x64xf32, #tpu.memory_space<hbm>>) target_semaphore(%run_scoped3A : memref<!tpu.dma_semaphore, #tpu.memory_space<semaphore_mem>>)
      %dma_wait3A = arith.constant 0 : i32
      %dma_wait3A_44 = tpu.memref_slice %arg5[%arg0, %add3A_35, %dma_wait3A] : memref<2x10240x64xf32, #tpu.memory_space<hbm>> -> memref<1x128x64xf32, #tpu.memory_space<hbm>>
      %dma_wait3A_45 = tpu.memref_squeeze %dma_wait3A_44 : memref<1x128x64xf32, #tpu.memory_space<hbm>> -> memref<128x64xf32, #tpu.memory_space<hbm>>
      %dma_wait3A_46 = arith.constant 0 : i32
      %dma_wait3A_47 = tpu.memref_slice %arg6[%add3A_35, %dma_wait3A_46] : memref<10240x64xf32, #tpu.memory_space<vmem_shared>> -> memref<128x64xf32, #tpu.memory_space<vmem_shared>>
      tpu.wait_dma2 semaphore(%run_scoped3A : memref<!tpu.dma_semaphore, #tpu.memory_space<semaphore_mem>>) src(%dma_wait3A_47 : memref<128x64xf32, #tpu.memory_space<vmem_shared>>) dst(%dma_wait3A_45 : memref<128x64xf32, #tpu.memory_space<hbm>>)
      tpu.yield
    }) : () -> ()
    %add3A_36 = arith.constant 384 : i32
    %add3A_37 = arith.addi %mul3A_2, %add3A_36 : i32
    "tpu.region"() ({
      %run_scoped3A = tpu.sem_alloc : memref<!tpu.dma_semaphore, #tpu.memory_space<semaphore_mem>>
      %dma_start3A = arith.constant 0 : i32
      %dma_start3A_40 = tpu.memref_slice %arg5[%arg0, %add3A_37, %dma_start3A] : memref<2x10240x64xf32, #tpu.memory_space<hbm>> -> memref<1x128x64xf32, #tpu.memory_space<hbm>>
      %dma_start3A_41 = tpu.memref_squeeze %dma_start3A_40 : memref<1x128x64xf32, #tpu.memory_space<hbm>> -> memref<128x64xf32, #tpu.memory_space<hbm>>
      %dma_start3A_42 = arith.constant 0 : i32
      %dma_start3A_43 = tpu.memref_slice %arg6[%add3A_37, %dma_start3A_42] : memref<10240x64xf32, #tpu.memory_space<vmem_shared>> -> memref<128x64xf32, #tpu.memory_space<vmem_shared>>
      tpu.enqueue_dma source(%dma_start3A_43 : memref<128x64xf32, #tpu.memory_space<vmem_shared>>) target(%dma_start3A_41 : memref<128x64xf32, #tpu.memory_space<hbm>>) target_semaphore(%run_scoped3A : memref<!tpu.dma_semaphore, #tpu.memory_space<semaphore_mem>>)
      %dma_wait3A = arith.constant 0 : i32
      %dma_wait3A_44 = tpu.memref_slice %arg5[%arg0, %add3A_37, %dma_wait3A] : memref<2x10240x64xf32, #tpu.memory_space<hbm>> -> memref<1x128x64xf32, #tpu.memory_space<hbm>>
      %dma_wait3A_45 = tpu.memref_squeeze %dma_wait3A_44 : memref<1x128x64xf32, #tpu.memory_space<hbm>> -> memref<128x64xf32, #tpu.memory_space<hbm>>
      %dma_wait3A_46 = arith.constant 0 : i32
      %dma_wait3A_47 = tpu.memref_slice %arg6[%add3A_37, %dma_wait3A_46] : memref<10240x64xf32, #tpu.memory_space<vmem_shared>> -> memref<128x64xf32, #tpu.memory_space<vmem_shared>>
      tpu.wait_dma2 semaphore(%run_scoped3A : memref<!tpu.dma_semaphore, #tpu.memory_space<semaphore_mem>>) src(%dma_wait3A_47 : memref<128x64xf32, #tpu.memory_space<vmem_shared>>) dst(%dma_wait3A_45 : memref<128x64xf32, #tpu.memory_space<hbm>>)
      tpu.yield
    }) : () -> ()
    %add3A_38 = arith.constant 512 : i32
    %add3A_39 = arith.addi %mul3A_2, %add3A_38 : i32
    "tpu.region"() ({
      %run_scoped3A = tpu.sem_alloc : memref<!tpu.dma_semaphore, #tpu.memory_space<semaphore_mem>>
      %dma_start3A = arith.constant 0 : i32
      %dma_start3A_40 = tpu.memref_slice %arg5[%arg0, %add3A_39, %dma_start3A] : memref<2x10240x64xf32, #tpu.memory_space<hbm>> -> memref<1x128x64xf32, #tpu.memory_space<hbm>>
      %dma_start3A_41 = tpu.memref_squeeze %dma_start3A_40 : memref<1x128x64xf32, #tpu.memory_space<hbm>> -> memref<128x64xf32, #tpu.memory_space<hbm>>
      %dma_start3A_42 = arith.constant 0 : i32
      %dma_start3A_43 = tpu.memref_slice %arg6[%add3A_39, %dma_start3A_42] : memref<10240x64xf32, #tpu.memory_space<vmem_shared>> -> memref<128x64xf32, #tpu.memory_space<vmem_shared>>
      tpu.enqueue_dma source(%dma_start3A_43 : memref<128x64xf32, #tpu.memory_space<vmem_shared>>) target(%dma_start3A_41 : memref<128x64xf32, #tpu.memory_space<hbm>>) target_semaphore(%run_scoped3A : memref<!tpu.dma_semaphore, #tpu.memory_space<semaphore_mem>>)
      %dma_wait3A = arith.constant 0 : i32
      %dma_wait3A_44 = tpu.memref_slice %arg5[%arg0, %add3A_39, %dma_wait3A] : memref<2x10240x64xf32, #tpu.memory_space<hbm>> -> memref<1x128x64xf32, #tpu.memory_space<hbm>>
      %dma_wait3A_45 = tpu.memref_squeeze %dma_wait3A_44 : memref<1x128x64xf32, #tpu.memory_space<hbm>> -> memref<128x64xf32, #tpu.memory_space<hbm>>
      %dma_wait3A_46 = arith.constant 0 : i32
      %dma_wait3A_47 = tpu.memref_slice %arg6[%add3A_39, %dma_wait3A_46] : memref<10240x64xf32, #tpu.memory_space<vmem_shared>> -> memref<128x64xf32, #tpu.memory_space<vmem_shared>>
      tpu.wait_dma2 semaphore(%run_scoped3A : memref<!tpu.dma_semaphore, #tpu.memory_space<semaphore_mem>>) src(%dma_wait3A_47 : memref<128x64xf32, #tpu.memory_space<vmem_shared>>) dst(%dma_wait3A_45 : memref<128x64xf32, #tpu.memory_space<hbm>>)
      tpu.yield
    }) : () -> ()
    return
  }
}

#map = affine_map<(d0, d1) -> (0, 0, 0)>
#map1 = affine_map<(d0, d1) -> (0, 0)>
module attributes {stable_mosaic.version = 14 : i64} {
  func.func @body(%arg0: i32, %arg1: i32, %arg2: memref<32x79x128xi32, #tpu.memory_space<hbm>>, %arg3: memref<32x79x128xi32, #tpu.memory_space<hbm>>, %arg4: memref<10000x64xf32, #tpu.memory_space<hbm>>, %arg5: memref<2x10240x64xf32, #tpu.memory_space<hbm>>, %arg6: memref<2x10240x16xf32, #tpu.memory_space<hbm>>, %arg7: memref<10240x64xf32, #tpu.memory_space<vmem_shared>>, %arg8: memref<10240x16xf32, #tpu.memory_space<vmem_shared>>, %arg9: memref<79x128xi32, #tpu.memory_space<vmem>>, %arg10: memref<79x128xi32, #tpu.memory_space<vmem>>, %arg11: memref<128x64xf32, #tpu.memory_space<vmem>>, %arg12: memref<128x16xf32, #tpu.memory_space<vmem>>, %arg13: memref<128x16xf32, #tpu.memory_space<vmem>>) attributes {dimension_semantics = [#tpu.dimension_semantics<core_parallel>, #tpu.dimension_semantics<subcore_parallel>], iteration_bounds = array<i64: 2, 16>, scalar_prefetch = 0 : i64, scratch_operands = 7 : i64, tpu.core_type = #tpu.core_type<sc_vector_subcore>, window_params = [{transform_indices = #map}, {transform_indices = #map}, {transform_indices = #map1}, {transform_indices = #map}, {transform_indices = #map}]} {
    %mul3A = arith.constant 16 : i32
    %mul3A_0 = arith.muli %arg0, %mul3A : i32
    %add3A = arith.addi %mul3A_0, %arg1 : i32
    %mul3A_1 = arith.constant 640 : i32
    %mul3A_2 = arith.muli %arg1, %mul3A_1 : i32
    %broadcast_in_dim3A = arith.constant 0.000000e+00 : f32
    %broadcast_in_dim3A_3 = vector.broadcast %broadcast_in_dim3A : f32 to vector<16xf32>
    %broadcast_in_dim3A_4 = arith.constant 1.000000e+00 : f32
    %broadcast_in_dim3A_5 = vector.broadcast %broadcast_in_dim3A_4 : f32 to vector<16xf32>
    %scan3A = arith.constant 0 : i32
    %scan3A_6 = arith.constant 0 : i32
    %scan3A_7 = arith.constant 128 : i32
    %scan3A_8 = arith.addi %scan3A_6, %scan3A_7 : i32
    %scan3A_9 = arith.constant 1 : i32
    %scan3A_10 = scf.for %scan3A_50 = %scan3A_6 to %scan3A_8 step %scan3A_9 iter_args(%scan3A_51 = %scan3A) -> (i32)  : i32 {
      %swap3A = arith.index_cast %scan3A_50 : i32 to index
      %swap3A_52 = arith.constant 0 : index
      %swap3A_53 = tpu.vector_load %arg11[%swap3A, %swap3A_52] {strides = array<i32>} : memref<128x64xf32, #tpu.memory_space<vmem>>, vector<1x16xf32>,
      %swap3A_54 = vector.shape_cast %swap3A_53 : vector<1x16xf32> to vector<16xf32>
      %swap3A_55 = vector.shape_cast %broadcast_in_dim3A_3 : vector<16xf32> to vector<1x16xf32>
      tpu.vector_store %arg11[%swap3A, %swap3A_52], %swap3A_55 {strides = array<i32>} : memref<128x64xf32, #tpu.memory_space<vmem>>, vector<1x16xf32>,
      %swap3A_56 = arith.index_cast %scan3A_50 : i32 to index
      %swap3A_57 = arith.constant 16 : index
      %swap3A_58 = tpu.vector_load %arg11[%swap3A_56, %swap3A_57] {strides = array<i32>} : memref<128x64xf32, #tpu.memory_space<vmem>>, vector<1x16xf32>,
      %swap3A_59 = vector.shape_cast %swap3A_58 : vector<1x16xf32> to vector<16xf32>
      %swap3A_60 = vector.shape_cast %broadcast_in_dim3A_3 : vector<16xf32> to vector<1x16xf32>
      tpu.vector_store %arg11[%swap3A_56, %swap3A_57], %swap3A_60 {strides = array<i32>} : memref<128x64xf32, #tpu.memory_space<vmem>>, vector<1x16xf32>,
      %swap3A_61 = arith.index_cast %scan3A_50 : i32 to index
      %swap3A_62 = arith.constant 32 : index
      %swap3A_63 = tpu.vector_load %arg11[%swap3A_61, %swap3A_62] {strides = array<i32>} : memref<128x64xf32, #tpu.memory_space<vmem>>, vector<1x16xf32>,
      %swap3A_64 = vector.shape_cast %swap3A_63 : vector<1x16xf32> to vector<16xf32>
      %swap3A_65 = vector.shape_cast %broadcast_in_dim3A_3 : vector<16xf32> to vector<1x16xf32>
      tpu.vector_store %arg11[%swap3A_61, %swap3A_62], %swap3A_65 {strides = array<i32>} : memref<128x64xf32, #tpu.memory_space<vmem>>, vector<1x16xf32>,
      %swap3A_66 = arith.index_cast %scan3A_50 : i32 to index
      %swap3A_67 = arith.constant 48 : index
      %swap3A_68 = tpu.vector_load %arg11[%swap3A_66, %swap3A_67] {strides = array<i32>} : memref<128x64xf32, #tpu.memory_space<vmem>>, vector<1x16xf32>,
      %swap3A_69 = vector.shape_cast %swap3A_68 : vector<1x16xf32> to vector<16xf32>
      %swap3A_70 = vector.shape_cast %broadcast_in_dim3A_3 : vector<16xf32> to vector<1x16xf32>
      tpu.vector_store %arg11[%swap3A_66, %swap3A_67], %swap3A_70 {strides = array<i32>} : memref<128x64xf32, #tpu.memory_space<vmem>>, vector<1x16xf32>,
      %swap3A_71 = arith.index_cast %scan3A_50 : i32 to index
      %swap3A_72 = arith.constant 0 : index
      %swap3A_73 = tpu.vector_load %arg12[%swap3A_71, %swap3A_72] {strides = array<i32>} : memref<128x16xf32, #tpu.memory_space<vmem>>, vector<1x16xf32>,
      %swap3A_74 = vector.shape_cast %swap3A_73 : vector<1x16xf32> to vector<16xf32>
      %swap3A_75 = vector.shape_cast %broadcast_in_dim3A_5 : vector<16xf32> to vector<1x16xf32>
      tpu.vector_store %arg12[%swap3A_71, %swap3A_72], %swap3A_75 {strides = array<i32>} : memref<128x16xf32, #tpu.memory_space<vmem>>, vector<1x16xf32>,
      %swap3A_76 = arith.index_cast %scan3A_50 : i32 to index
      %swap3A_77 = arith.constant 0 : index
      %swap3A_78 = tpu.vector_load %arg13[%swap3A_76, %swap3A_77] {strides = array<i32>} : memref<128x16xf32, #tpu.memory_space<vmem>>, vector<1x16xf32>,
      %swap3A_79 = vector.shape_cast %swap3A_78 : vector<1x16xf32> to vector<16xf32>
      %swap3A_80 = vector.shape_cast %broadcast_in_dim3A_3 : vector<16xf32> to vector<1x16xf32>
      tpu.vector_store %arg13[%swap3A_76, %swap3A_77], %swap3A_80 {strides = array<i32>} : memref<128x16xf32, #tpu.memory_space<vmem>>, vector<1x16xf32>,
      %scan3A_81 = arith.constant 0 : i32
      scf.yield %scan3A_81 : i32
    }
    %scan3A_11 = arith.constant 128 : i32
    %add3A_12 = arith.constant 0 : i32
    %add3A_13 = arith.addi %mul3A_2, %add3A_12 : i32
    "tpu.region"() ({
      %run_scoped3A = tpu.sem_alloc : memref<!tpu.dma_semaphore, #tpu.memory_space<semaphore_mem>>
      %dma_start3A = arith.constant 0 : i32
      %dma_start3A_50 = tpu.memref_slice %arg7[%add3A_13, %dma_start3A] : memref<10240x64xf32, #tpu.memory_space<vmem_shared>> -> memref<128x64xf32, #tpu.memory_space<vmem_shared>>
      %dma_start3A_51 = arith.constant 0 : i32
      %dma_start3A_52 = tpu.memref_slice %arg7[%add3A_13, %dma_start3A_51] : memref<10240x64xf32, #tpu.memory_space<vmem_shared>> -> memref<128x64xf32, #tpu.memory_space<vmem_shared>>
      tpu.enqueue_dma source(%arg11 : memref<128x64xf32, #tpu.memory_space<vmem>>) target(%dma_start3A_52 : memref<128x64xf32, #tpu.memory_space<vmem_shared>>) target_semaphore(%run_scoped3A : memref<!tpu.dma_semaphore, #tpu.memory_space<semaphore_mem>>)
      %dma_wait3A = arith.constant 0 : i32
      %dma_wait3A_53 = tpu.memref_slice %arg7[%add3A_13, %dma_wait3A] : memref<10240x64xf32, #tpu.memory_space<vmem_shared>> -> memref<128x64xf32, #tpu.memory_space<vmem_shared>>
      %dma_wait3A_54 = arith.constant 0 : i32
      %dma_wait3A_55 = tpu.memref_slice %arg7[%add3A_13, %dma_wait3A_54] : memref<10240x64xf32, #tpu.memory_space<vmem_shared>> -> memref<128x64xf32, #tpu.memory_space<vmem_shared>>
      tpu.wait_dma2 semaphore(%run_scoped3A : memref<!tpu.dma_semaphore, #tpu.memory_space<semaphore_mem>>) src(%arg11 : memref<128x64xf32, #tpu.memory_space<vmem>>) dst(%dma_wait3A_55 : memref<128x64xf32, #tpu.memory_space<vmem_shared>>)
      tpu.yield
    }) : () -> ()
    %add3A_14 = arith.constant 0 : i32
    %add3A_15 = arith.addi %mul3A_2, %add3A_14 : i32
    "tpu.region"() ({
      %run_scoped3A = tpu.sem_alloc : memref<!tpu.dma_semaphore, #tpu.memory_space<semaphore_mem>>
      %dma_start3A = arith.constant 0 : i32
      %dma_start3A_50 = tpu.memref_slice %arg8[%add3A_15, %dma_start3A] : memref<10240x16xf32, #tpu.memory_space<vmem_shared>> -> memref<128x16xf32, #tpu.memory_space<vmem_shared>>
      %dma_start3A_51 = arith.constant 0 : i32
      %dma_start3A_52 = tpu.memref_slice %arg8[%add3A_15, %dma_start3A_51] : memref<10240x16xf32, #tpu.memory_space<vmem_shared>> -> memref<128x16xf32, #tpu.memory_space<vmem_shared>>
      tpu.enqueue_dma source(%arg13 : memref<128x16xf32, #tpu.memory_space<vmem>>) target(%dma_start3A_52 : memref<128x16xf32, #tpu.memory_space<vmem_shared>>) target_semaphore(%run_scoped3A : memref<!tpu.dma_semaphore, #tpu.memory_space<semaphore_mem>>)
      %dma_wait3A = arith.constant 0 : i32
      %dma_wait3A_53 = tpu.memref_slice %arg8[%add3A_15, %dma_wait3A] : memref<10240x16xf32, #tpu.memory_space<vmem_shared>> -> memref<128x16xf32, #tpu.memory_space<vmem_shared>>
      %dma_wait3A_54 = arith.constant 0 : i32
      %dma_wait3A_55 = tpu.memref_slice %arg8[%add3A_15, %dma_wait3A_54] : memref<10240x16xf32, #tpu.memory_space<vmem_shared>> -> memref<128x16xf32, #tpu.memory_space<vmem_shared>>
      tpu.wait_dma2 semaphore(%run_scoped3A : memref<!tpu.dma_semaphore, #tpu.memory_space<semaphore_mem>>) src(%arg13 : memref<128x16xf32, #tpu.memory_space<vmem>>) dst(%dma_wait3A_55 : memref<128x16xf32, #tpu.memory_space<vmem_shared>>)
      tpu.yield
    }) : () -> ()
    %add3A_16 = arith.constant 128 : i32
    %add3A_17 = arith.addi %mul3A_2, %add3A_16 : i32
    "tpu.region"() ({
      %run_scoped3A = tpu.sem_alloc : memref<!tpu.dma_semaphore, #tpu.memory_space<semaphore_mem>>
      %dma_start3A = arith.constant 0 : i32
      %dma_start3A_50 = tpu.memref_slice %arg7[%add3A_17, %dma_start3A] : memref<10240x64xf32, #tpu.memory_space<vmem_shared>> -> memref<128x64xf32, #tpu.memory_space<vmem_shared>>
      %dma_start3A_51 = arith.constant 0 : i32
      %dma_start3A_52 = tpu.memref_slice %arg7[%add3A_17, %dma_start3A_51] : memref<10240x64xf32, #tpu.memory_space<vmem_shared>> -> memref<128x64xf32, #tpu.memory_space<vmem_shared>>
      tpu.enqueue_dma source(%arg11 : memref<128x64xf32, #tpu.memory_space<vmem>>) target(%dma_start3A_52 : memref<128x64xf32, #tpu.memory_space<vmem_shared>>) target_semaphore(%run_scoped3A : memref<!tpu.dma_semaphore, #tpu.memory_space<semaphore_mem>>)
      %dma_wait3A = arith.constant 0 : i32
      %dma_wait3A_53 = tpu.memref_slice %arg7[%add3A_17, %dma_wait3A] : memref<10240x64xf32, #tpu.memory_space<vmem_shared>> -> memref<128x64xf32, #tpu.memory_space<vmem_shared>>
      %dma_wait3A_54 = arith.constant 0 : i32
      %dma_wait3A_55 = tpu.memref_slice %arg7[%add3A_17, %dma_wait3A_54] : memref<10240x64xf32, #tpu.memory_space<vmem_shared>> -> memref<128x64xf32, #tpu.memory_space<vmem_shared>>
      tpu.wait_dma2 semaphore(%run_scoped3A : memref<!tpu.dma_semaphore, #tpu.memory_space<semaphore_mem>>) src(%arg11 : memref<128x64xf32, #tpu.memory_space<vmem>>) dst(%dma_wait3A_55 : memref<128x64xf32, #tpu.memory_space<vmem_shared>>)
      tpu.yield
    }) : () -> ()
    %add3A_18 = arith.constant 128 : i32
    %add3A_19 = arith.addi %mul3A_2, %add3A_18 : i32
    "tpu.region"() ({
      %run_scoped3A = tpu.sem_alloc : memref<!tpu.dma_semaphore, #tpu.memory_space<semaphore_mem>>
      %dma_start3A = arith.constant 0 : i32
      %dma_start3A_50 = tpu.memref_slice %arg8[%add3A_19, %dma_start3A] : memref<10240x16xf32, #tpu.memory_space<vmem_shared>> -> memref<128x16xf32, #tpu.memory_space<vmem_shared>>
      %dma_start3A_51 = arith.constant 0 : i32
      %dma_start3A_52 = tpu.memref_slice %arg8[%add3A_19, %dma_start3A_51] : memref<10240x16xf32, #tpu.memory_space<vmem_shared>> -> memref<128x16xf32, #tpu.memory_space<vmem_shared>>
      tpu.enqueue_dma source(%arg13 : memref<128x16xf32, #tpu.memory_space<vmem>>) target(%dma_start3A_52 : memref<128x16xf32, #tpu.memory_space<vmem_shared>>) target_semaphore(%run_scoped3A : memref<!tpu.dma_semaphore, #tpu.memory_space<semaphore_mem>>)
      %dma_wait3A = arith.constant 0 : i32
      %dma_wait3A_53 = tpu.memref_slice %arg8[%add3A_19, %dma_wait3A] : memref<10240x16xf32, #tpu.memory_space<vmem_shared>> -> memref<128x16xf32, #tpu.memory_space<vmem_shared>>
      %dma_wait3A_54 = arith.constant 0 : i32
      %dma_wait3A_55 = tpu.memref_slice %arg8[%add3A_19, %dma_wait3A_54] : memref<10240x16xf32, #tpu.memory_space<vmem_shared>> -> memref<128x16xf32, #tpu.memory_space<vmem_shared>>
      tpu.wait_dma2 semaphore(%run_scoped3A : memref<!tpu.dma_semaphore, #tpu.memory_space<semaphore_mem>>) src(%arg13 : memref<128x16xf32, #tpu.memory_space<vmem>>) dst(%dma_wait3A_55 : memref<128x16xf32, #tpu.memory_space<vmem_shared>>)
      tpu.yield
    }) : () -> ()
    %add3A_20 = arith.constant 256 : i32
    %add3A_21 = arith.addi %mul3A_2, %add3A_20 : i32
    "tpu.region"() ({
      %run_scoped3A = tpu.sem_alloc : memref<!tpu.dma_semaphore, #tpu.memory_space<semaphore_mem>>
      %dma_start3A = arith.constant 0 : i32
      %dma_start3A_50 = tpu.memref_slice %arg7[%add3A_21, %dma_start3A] : memref<10240x64xf32, #tpu.memory_space<vmem_shared>> -> memref<128x64xf32, #tpu.memory_space<vmem_shared>>
      %dma_start3A_51 = arith.constant 0 : i32
      %dma_start3A_52 = tpu.memref_slice %arg7[%add3A_21, %dma_start3A_51] : memref<10240x64xf32, #tpu.memory_space<vmem_shared>> -> memref<128x64xf32, #tpu.memory_space<vmem_shared>>
      tpu.enqueue_dma source(%arg11 : memref<128x64xf32, #tpu.memory_space<vmem>>) target(%dma_start3A_52 : memref<128x64xf32, #tpu.memory_space<vmem_shared>>) target_semaphore(%run_scoped3A : memref<!tpu.dma_semaphore, #tpu.memory_space<semaphore_mem>>)
      %dma_wait3A = arith.constant 0 : i32
      %dma_wait3A_53 = tpu.memref_slice %arg7[%add3A_21, %dma_wait3A] : memref<10240x64xf32, #tpu.memory_space<vmem_shared>> -> memref<128x64xf32, #tpu.memory_space<vmem_shared>>
      %dma_wait3A_54 = arith.constant 0 : i32
      %dma_wait3A_55 = tpu.memref_slice %arg7[%add3A_21, %dma_wait3A_54] : memref<10240x64xf32, #tpu.memory_space<vmem_shared>> -> memref<128x64xf32, #tpu.memory_space<vmem_shared>>
      tpu.wait_dma2 semaphore(%run_scoped3A : memref<!tpu.dma_semaphore, #tpu.memory_space<semaphore_mem>>) src(%arg11 : memref<128x64xf32, #tpu.memory_space<vmem>>) dst(%dma_wait3A_55 : memref<128x64xf32, #tpu.memory_space<vmem_shared>>)
      tpu.yield
    }) : () -> ()
    %add3A_22 = arith.constant 256 : i32
    %add3A_23 = arith.addi %mul3A_2, %add3A_22 : i32
    "tpu.region"() ({
      %run_scoped3A = tpu.sem_alloc : memref<!tpu.dma_semaphore, #tpu.memory_space<semaphore_mem>>
      %dma_start3A = arith.constant 0 : i32
      %dma_start3A_50 = tpu.memref_slice %arg8[%add3A_23, %dma_start3A] : memref<10240x16xf32, #tpu.memory_space<vmem_shared>> -> memref<128x16xf32, #tpu.memory_space<vmem_shared>>
      %dma_start3A_51 = arith.constant 0 : i32
      %dma_start3A_52 = tpu.memref_slice %arg8[%add3A_23, %dma_start3A_51] : memref<10240x16xf32, #tpu.memory_space<vmem_shared>> -> memref<128x16xf32, #tpu.memory_space<vmem_shared>>
      tpu.enqueue_dma source(%arg13 : memref<128x16xf32, #tpu.memory_space<vmem>>) target(%dma_start3A_52 : memref<128x16xf32, #tpu.memory_space<vmem_shared>>) target_semaphore(%run_scoped3A : memref<!tpu.dma_semaphore, #tpu.memory_space<semaphore_mem>>)
      %dma_wait3A = arith.constant 0 : i32
      %dma_wait3A_53 = tpu.memref_slice %arg8[%add3A_23, %dma_wait3A] : memref<10240x16xf32, #tpu.memory_space<vmem_shared>> -> memref<128x16xf32, #tpu.memory_space<vmem_shared>>
      %dma_wait3A_54 = arith.constant 0 : i32
      %dma_wait3A_55 = tpu.memref_slice %arg8[%add3A_23, %dma_wait3A_54] : memref<10240x16xf32, #tpu.memory_space<vmem_shared>> -> memref<128x16xf32, #tpu.memory_space<vmem_shared>>
      tpu.wait_dma2 semaphore(%run_scoped3A : memref<!tpu.dma_semaphore, #tpu.memory_space<semaphore_mem>>) src(%arg13 : memref<128x16xf32, #tpu.memory_space<vmem>>) dst(%dma_wait3A_55 : memref<128x16xf32, #tpu.memory_space<vmem_shared>>)
      tpu.yield
    }) : () -> ()
    %add3A_24 = arith.constant 384 : i32
    %add3A_25 = arith.addi %mul3A_2, %add3A_24 : i32
    "tpu.region"() ({
      %run_scoped3A = tpu.sem_alloc : memref<!tpu.dma_semaphore, #tpu.memory_space<semaphore_mem>>
      %dma_start3A = arith.constant 0 : i32
      %dma_start3A_50 = tpu.memref_slice %arg7[%add3A_25, %dma_start3A] : memref<10240x64xf32, #tpu.memory_space<vmem_shared>> -> memref<128x64xf32, #tpu.memory_space<vmem_shared>>
      %dma_start3A_51 = arith.constant 0 : i32
      %dma_start3A_52 = tpu.memref_slice %arg7[%add3A_25, %dma_start3A_51] : memref<10240x64xf32, #tpu.memory_space<vmem_shared>> -> memref<128x64xf32, #tpu.memory_space<vmem_shared>>
      tpu.enqueue_dma source(%arg11 : memref<128x64xf32, #tpu.memory_space<vmem>>) target(%dma_start3A_52 : memref<128x64xf32, #tpu.memory_space<vmem_shared>>) target_semaphore(%run_scoped3A : memref<!tpu.dma_semaphore, #tpu.memory_space<semaphore_mem>>)
      %dma_wait3A = arith.constant 0 : i32
      %dma_wait3A_53 = tpu.memref_slice %arg7[%add3A_25, %dma_wait3A] : memref<10240x64xf32, #tpu.memory_space<vmem_shared>> -> memref<128x64xf32, #tpu.memory_space<vmem_shared>>
      %dma_wait3A_54 = arith.constant 0 : i32
      %dma_wait3A_55 = tpu.memref_slice %arg7[%add3A_25, %dma_wait3A_54] : memref<10240x64xf32, #tpu.memory_space<vmem_shared>> -> memref<128x64xf32, #tpu.memory_space<vmem_shared>>
      tpu.wait_dma2 semaphore(%run_scoped3A : memref<!tpu.dma_semaphore, #tpu.memory_space<semaphore_mem>>) src(%arg11 : memref<128x64xf32, #tpu.memory_space<vmem>>) dst(%dma_wait3A_55 : memref<128x64xf32, #tpu.memory_space<vmem_shared>>)
      tpu.yield
    }) : () -> ()
    %add3A_26 = arith.constant 384 : i32
    %add3A_27 = arith.addi %mul3A_2, %add3A_26 : i32
    "tpu.region"() ({
      %run_scoped3A = tpu.sem_alloc : memref<!tpu.dma_semaphore, #tpu.memory_space<semaphore_mem>>
      %dma_start3A = arith.constant 0 : i32
      %dma_start3A_50 = tpu.memref_slice %arg8[%add3A_27, %dma_start3A] : memref<10240x16xf32, #tpu.memory_space<vmem_shared>> -> memref<128x16xf32, #tpu.memory_space<vmem_shared>>
      %dma_start3A_51 = arith.constant 0 : i32
      %dma_start3A_52 = tpu.memref_slice %arg8[%add3A_27, %dma_start3A_51] : memref<10240x16xf32, #tpu.memory_space<vmem_shared>> -> memref<128x16xf32, #tpu.memory_space<vmem_shared>>
      tpu.enqueue_dma source(%arg13 : memref<128x16xf32, #tpu.memory_space<vmem>>) target(%dma_start3A_52 : memref<128x16xf32, #tpu.memory_space<vmem_shared>>) target_semaphore(%run_scoped3A : memref<!tpu.dma_semaphore, #tpu.memory_space<semaphore_mem>>)
      %dma_wait3A = arith.constant 0 : i32
      %dma_wait3A_53 = tpu.memref_slice %arg8[%add3A_27, %dma_wait3A] : memref<10240x16xf32, #tpu.memory_space<vmem_shared>> -> memref<128x16xf32, #tpu.memory_space<vmem_shared>>
      %dma_wait3A_54 = arith.constant 0 : i32
      %dma_wait3A_55 = tpu.memref_slice %arg8[%add3A_27, %dma_wait3A_54] : memref<10240x16xf32, #tpu.memory_space<vmem_shared>> -> memref<128x16xf32, #tpu.memory_space<vmem_shared>>
      tpu.wait_dma2 semaphore(%run_scoped3A : memref<!tpu.dma_semaphore, #tpu.memory_space<semaphore_mem>>) src(%arg13 : memref<128x16xf32, #tpu.memory_space<vmem>>) dst(%dma_wait3A_55 : memref<128x16xf32, #tpu.memory_space<vmem_shared>>)
      tpu.yield
    }) : () -> ()
    %add3A_28 = arith.constant 512 : i32
    %add3A_29 = arith.addi %mul3A_2, %add3A_28 : i32
    "tpu.region"() ({
      %run_scoped3A = tpu.sem_alloc : memref<!tpu.dma_semaphore, #tpu.memory_space<semaphore_mem>>
      %dma_start3A = arith.constant 0 : i32
      %dma_start3A_50 = tpu.memref_slice %arg7[%add3A_29, %dma_start3A] : memref<10240x64xf32, #tpu.memory_space<vmem_shared>> -> memref<128x64xf32, #tpu.memory_space<vmem_shared>>
      %dma_start3A_51 = arith.constant 0 : i32
      %dma_start3A_52 = tpu.memref_slice %arg7[%add3A_29, %dma_start3A_51] : memref<10240x64xf32, #tpu.memory_space<vmem_shared>> -> memref<128x64xf32, #tpu.memory_space<vmem_shared>>
      tpu.enqueue_dma source(%arg11 : memref<128x64xf32, #tpu.memory_space<vmem>>) target(%dma_start3A_52 : memref<128x64xf32, #tpu.memory_space<vmem_shared>>) target_semaphore(%run_scoped3A : memref<!tpu.dma_semaphore, #tpu.memory_space<semaphore_mem>>)
      %dma_wait3A = arith.constant 0 : i32
      %dma_wait3A_53 = tpu.memref_slice %arg7[%add3A_29, %dma_wait3A] : memref<10240x64xf32, #tpu.memory_space<vmem_shared>> -> memref<128x64xf32, #tpu.memory_space<vmem_shared>>
      %dma_wait3A_54 = arith.constant 0 : i32
      %dma_wait3A_55 = tpu.memref_slice %arg7[%add3A_29, %dma_wait3A_54] : memref<10240x64xf32, #tpu.memory_space<vmem_shared>> -> memref<128x64xf32, #tpu.memory_space<vmem_shared>>
      tpu.wait_dma2 semaphore(%run_scoped3A : memref<!tpu.dma_semaphore, #tpu.memory_space<semaphore_mem>>) src(%arg11 : memref<128x64xf32, #tpu.memory_space<vmem>>) dst(%dma_wait3A_55 : memref<128x64xf32, #tpu.memory_space<vmem_shared>>)
      tpu.yield
    }) : () -> ()
    %add3A_30 = arith.constant 512 : i32
    %add3A_31 = arith.addi %mul3A_2, %add3A_30 : i32
    "tpu.region"() ({
      %run_scoped3A = tpu.sem_alloc : memref<!tpu.dma_semaphore, #tpu.memory_space<semaphore_mem>>
      %dma_start3A = arith.constant 0 : i32
      %dma_start3A_50 = tpu.memref_slice %arg8[%add3A_31, %dma_start3A] : memref<10240x16xf32, #tpu.memory_space<vmem_shared>> -> memref<128x16xf32, #tpu.memory_space<vmem_shared>>
      %dma_start3A_51 = arith.constant 0 : i32
      %dma_start3A_52 = tpu.memref_slice %arg8[%add3A_31, %dma_start3A_51] : memref<10240x16xf32, #tpu.memory_space<vmem_shared>> -> memref<128x16xf32, #tpu.memory_space<vmem_shared>>
      tpu.enqueue_dma source(%arg13 : memref<128x16xf32, #tpu.memory_space<vmem>>) target(%dma_start3A_52 : memref<128x16xf32, #tpu.memory_space<vmem_shared>>) target_semaphore(%run_scoped3A : memref<!tpu.dma_semaphore, #tpu.memory_space<semaphore_mem>>)
      %dma_wait3A = arith.constant 0 : i32
      %dma_wait3A_53 = tpu.memref_slice %arg8[%add3A_31, %dma_wait3A] : memref<10240x16xf32, #tpu.memory_space<vmem_shared>> -> memref<128x16xf32, #tpu.memory_space<vmem_shared>>
      %dma_wait3A_54 = arith.constant 0 : i32
      %dma_wait3A_55 = tpu.memref_slice %arg8[%add3A_31, %dma_wait3A_54] : memref<10240x16xf32, #tpu.memory_space<vmem_shared>> -> memref<128x16xf32, #tpu.memory_space<vmem_shared>>
      tpu.wait_dma2 semaphore(%run_scoped3A : memref<!tpu.dma_semaphore, #tpu.memory_space<semaphore_mem>>) src(%arg13 : memref<128x16xf32, #tpu.memory_space<vmem>>) dst(%dma_wait3A_55 : memref<128x16xf32, #tpu.memory_space<vmem_shared>>)
      tpu.yield
    }) : () -> ()
    %barrier3A = arith.constant 0 : index
    tpu.barrier barrier_id(%barrier3A)
    "tpu.region"() ({
      %run_scoped3A = tpu.sem_alloc : memref<!tpu.dma_semaphore, #tpu.memory_space<semaphore_mem>>
      %dma_start3A = arith.constant 0 : i32
      %dma_start3A_50 = arith.constant 0 : i32
      %dma_start3A_51 = tpu.memref_slice %arg2[%add3A, %dma_start3A, %dma_start3A_50] : memref<32x79x128xi32, #tpu.memory_space<hbm>> -> memref<1x79x128xi32, #tpu.memory_space<hbm>>
      %dma_start3A_52 = tpu.memref_squeeze %dma_start3A_51 : memref<1x79x128xi32, #tpu.memory_space<hbm>> -> memref<79x128xi32, #tpu.memory_space<hbm>>
      %dma_start3A_53 = arith.constant 0 : i32
      %dma_start3A_54 = arith.constant 0 : i32
      %dma_start3A_55 = tpu.memref_slice %arg2[%add3A, %dma_start3A_53, %dma_start3A_54] : memref<32x79x128xi32, #tpu.memory_space<hbm>> -> memref<1x79x128xi32, #tpu.memory_space<hbm>>
      %dma_start3A_56 = tpu.memref_squeeze %dma_start3A_55 : memref<1x79x128xi32, #tpu.memory_space<hbm>> -> memref<79x128xi32, #tpu.memory_space<hbm>>
      tpu.enqueue_dma source(%dma_start3A_56 : memref<79x128xi32, #tpu.memory_space<hbm>>) target(%arg9 : memref<79x128xi32, #tpu.memory_space<vmem>>) target_semaphore(%run_scoped3A : memref<!tpu.dma_semaphore, #tpu.memory_space<semaphore_mem>>)
      %dma_wait3A = arith.constant 0 : i32
      %dma_wait3A_57 = arith.constant 0 : i32
      %dma_wait3A_58 = tpu.memref_slice %arg2[%add3A, %dma_wait3A, %dma_wait3A_57] : memref<32x79x128xi32, #tpu.memory_space<hbm>> -> memref<1x79x128xi32, #tpu.memory_space<hbm>>
      %dma_wait3A_59 = tpu.memref_squeeze %dma_wait3A_58 : memref<1x79x128xi32, #tpu.memory_space<hbm>> -> memref<79x128xi32, #tpu.memory_space<hbm>>
      %dma_wait3A_60 = arith.constant 0 : i32
      %dma_wait3A_61 = arith.constant 0 : i32
      %dma_wait3A_62 = tpu.memref_slice %arg2[%add3A, %dma_wait3A_60, %dma_wait3A_61] : memref<32x79x128xi32, #tpu.memory_space<hbm>> -> memref<1x79x128xi32, #tpu.memory_space<hbm>>
      %dma_wait3A_63 = tpu.memref_squeeze %dma_wait3A_62 : memref<1x79x128xi32, #tpu.memory_space<hbm>> -> memref<79x128xi32, #tpu.memory_space<hbm>>
      tpu.wait_dma2 semaphore(%run_scoped3A : memref<!tpu.dma_semaphore, #tpu.memory_space<semaphore_mem>>) src(%dma_wait3A_63 : memref<79x128xi32, #tpu.memory_space<hbm>>) dst(%arg9 : memref<79x128xi32, #tpu.memory_space<vmem>>)
      tpu.yield
    }) : () -> ()
    "tpu.region"() ({
      %run_scoped3A = tpu.sem_alloc : memref<!tpu.dma_semaphore, #tpu.memory_space<semaphore_mem>>
      %dma_start3A = arith.constant 0 : i32
      %dma_start3A_50 = arith.constant 0 : i32
      %dma_start3A_51 = tpu.memref_slice %arg3[%add3A, %dma_start3A, %dma_start3A_50] : memref<32x79x128xi32, #tpu.memory_space<hbm>> -> memref<1x79x128xi32, #tpu.memory_space<hbm>>
      %dma_start3A_52 = tpu.memref_squeeze %dma_start3A_51 : memref<1x79x128xi32, #tpu.memory_space<hbm>> -> memref<79x128xi32, #tpu.memory_space<hbm>>
      %dma_start3A_53 = arith.constant 0 : i32
      %dma_start3A_54 = arith.constant 0 : i32
      %dma_start3A_55 = tpu.memref_slice %arg3[%add3A, %dma_start3A_53, %dma_start3A_54] : memref<32x79x128xi32, #tpu.memory_space<hbm>> -> memref<1x79x128xi32, #tpu.memory_space<hbm>>
      %dma_start3A_56 = tpu.memref_squeeze %dma_start3A_55 : memref<1x79x128xi32, #tpu.memory_space<hbm>> -> memref<79x128xi32, #tpu.memory_space<hbm>>
      tpu.enqueue_dma source(%dma_start3A_56 : memref<79x128xi32, #tpu.memory_space<hbm>>) target(%arg10 : memref<79x128xi32, #tpu.memory_space<vmem>>) target_semaphore(%run_scoped3A : memref<!tpu.dma_semaphore, #tpu.memory_space<semaphore_mem>>)
      %dma_wait3A = arith.constant 0 : i32
      %dma_wait3A_57 = arith.constant 0 : i32
      %dma_wait3A_58 = tpu.memref_slice %arg3[%add3A, %dma_wait3A, %dma_wait3A_57] : memref<32x79x128xi32, #tpu.memory_space<hbm>> -> memref<1x79x128xi32, #tpu.memory_space<hbm>>
      %dma_wait3A_59 = tpu.memref_squeeze %dma_wait3A_58 : memref<1x79x128xi32, #tpu.memory_space<hbm>> -> memref<79x128xi32, #tpu.memory_space<hbm>>
      %dma_wait3A_60 = arith.constant 0 : i32
      %dma_wait3A_61 = arith.constant 0 : i32
      %dma_wait3A_62 = tpu.memref_slice %arg3[%add3A, %dma_wait3A_60, %dma_wait3A_61] : memref<32x79x128xi32, #tpu.memory_space<hbm>> -> memref<1x79x128xi32, #tpu.memory_space<hbm>>
      %dma_wait3A_63 = tpu.memref_squeeze %dma_wait3A_62 : memref<1x79x128xi32, #tpu.memory_space<hbm>> -> memref<79x128xi32, #tpu.memory_space<hbm>>
      tpu.wait_dma2 semaphore(%run_scoped3A : memref<!tpu.dma_semaphore, #tpu.memory_space<semaphore_mem>>) src(%dma_wait3A_63 : memref<79x128xi32, #tpu.memory_space<hbm>>) dst(%arg10 : memref<79x128xi32, #tpu.memory_space<vmem>>)
      tpu.yield
    }) : () -> ()
    %scan3A_32 = arith.constant 0 : i32
    %scan3A_33 = arith.constant 0 : i32
    %scan3A_34 = arith.constant 79 : i32
    %scan3A_35 = arith.addi %scan3A_33, %scan3A_34 : i32
    %scan3A_36 = arith.constant 1 : i32
    %scan3A_37 = scf.for %scan3A_50 = %scan3A_33 to %scan3A_35 step %scan3A_36 iter_args(%scan3A_51 = %scan3A_32) -> (i32)  : i32 {
      "tpu.region"() ({
        %run_scoped3A = tpu.sem_alloc : memref<!tpu.dma_semaphore, #tpu.memory_space<semaphore_mem>>
        %dma_start3A = arith.constant 0 : i32
        %dma_start3A_53 = tpu.memref_slice %arg9[%scan3A_50, %dma_start3A] : memref<79x128xi32, #tpu.memory_space<vmem>> -> memref<1x128xi32, #tpu.memory_space<vmem>>
        %dma_start3A_54 = tpu.memref_squeeze %dma_start3A_53 : memref<1x128xi32, #tpu.memory_space<vmem>> -> memref<128xi32, #tpu.memory_space<vmem>>
        %dma_start3A_55 = arith.constant 0 : i32
        %dma_start3A_56 = arith.constant 0 : i32
        %dma_start3A_57 = tpu.memref_slice %arg4[%dma_start3A_55, %dma_start3A_56] : memref<10000x64xf32, #tpu.memory_space<hbm>> -> memref<10000x64xf32, #tpu.memory_space<hbm>>
        tpu.enqueue_indirect_dma source(%dma_start3A_57 : memref<10000x64xf32, #tpu.memory_space<hbm>>) target(%arg11 : memref<128x64xf32, #tpu.memory_space<vmem>>) offsets(%dma_start3A_54 : memref<128xi32, #tpu.memory_space<vmem>>) semaphore(%run_scoped3A : memref<!tpu.dma_semaphore, #tpu.memory_space<semaphore_mem>>)
        %dma_wait3A = arith.constant 0 : i32
        %dma_wait3A_58 = tpu.memref_slice %arg9[%scan3A_50, %dma_wait3A] : memref<79x128xi32, #tpu.memory_space<vmem>> -> memref<1x128xi32, #tpu.memory_space<vmem>>
        %dma_wait3A_59 = tpu.memref_squeeze %dma_wait3A_58 : memref<1x128xi32, #tpu.memory_space<vmem>> -> memref<128xi32, #tpu.memory_space<vmem>>
        %dma_wait3A_60 = arith.constant 0 : i32
        %dma_wait3A_61 = arith.constant 0 : i32
        %dma_wait3A_62 = tpu.memref_slice %arg4[%dma_wait3A_60, %dma_wait3A_61] : memref<10000x64xf32, #tpu.memory_space<hbm>> -> memref<10000x64xf32, #tpu.memory_space<hbm>>
        tpu.wait_indirect_dma semaphore(%run_scoped3A : memref<!tpu.dma_semaphore, #tpu.memory_space<semaphore_mem>>) src(%dma_wait3A_62 : memref<10000x64xf32, #tpu.memory_space<hbm>>) dst(%arg11 : memref<128x64xf32, #tpu.memory_space<vmem>>)
        tpu.yield
      }) : () -> ()
      "tpu.region"() ({
        %run_scoped3A = tpu.sem_alloc : memref<!tpu.dma_semaphore, #tpu.memory_space<semaphore_mem>>
        %dma_start3A = arith.constant 0 : i32
        %dma_start3A_53 = tpu.memref_slice %arg10[%scan3A_50, %dma_start3A] : memref<79x128xi32, #tpu.memory_space<vmem>> -> memref<1x128xi32, #tpu.memory_space<vmem>>
        %dma_start3A_54 = tpu.memref_squeeze %dma_start3A_53 : memref<1x128xi32, #tpu.memory_space<vmem>> -> memref<128xi32, #tpu.memory_space<vmem>>
        %dma_start3A_55 = arith.constant 0 : i32
        %dma_start3A_56 = arith.constant 0 : i32
        %dma_start3A_57 = tpu.memref_slice %arg7[%dma_start3A_55, %dma_start3A_56] : memref<10240x64xf32, #tpu.memory_space<vmem_shared>> -> memref<10240x64xf32, #tpu.memory_space<vmem_shared>>
        tpu.enqueue_indirect_dma source(%arg11 : memref<128x64xf32, #tpu.memory_space<vmem>>) target(%dma_start3A_57 : memref<10240x64xf32, #tpu.memory_space<vmem_shared>>) offsets(%dma_start3A_54 : memref<128xi32, #tpu.memory_space<vmem>>) semaphore(%run_scoped3A : memref<!tpu.dma_semaphore, #tpu.memory_space<semaphore_mem>>) {add = true}
        %dma_wait3A = arith.constant 0 : i32
        %dma_wait3A_58 = tpu.memref_slice %arg10[%scan3A_50, %dma_wait3A] : memref<79x128xi32, #tpu.memory_space<vmem>> -> memref<1x128xi32, #tpu.memory_space<vmem>>
        %dma_wait3A_59 = tpu.memref_squeeze %dma_wait3A_58 : memref<1x128xi32, #tpu.memory_space<vmem>> -> memref<128xi32, #tpu.memory_space<vmem>>
        %dma_wait3A_60 = arith.constant 0 : i32
        %dma_wait3A_61 = arith.constant 0 : i32
        %dma_wait3A_62 = tpu.memref_slice %arg7[%dma_wait3A_60, %dma_wait3A_61] : memref<10240x64xf32, #tpu.memory_space<vmem_shared>> -> memref<10240x64xf32, #tpu.memory_space<vmem_shared>>
        tpu.wait_indirect_dma semaphore(%run_scoped3A : memref<!tpu.dma_semaphore, #tpu.memory_space<semaphore_mem>>) src(%arg11 : memref<128x64xf32, #tpu.memory_space<vmem>>) dst(%dma_wait3A_62 : memref<10240x64xf32, #tpu.memory_space<vmem_shared>>)
        tpu.yield
      }) : () -> ()
      "tpu.region"() ({
        %run_scoped3A = tpu.sem_alloc : memref<!tpu.dma_semaphore, #tpu.memory_space<semaphore_mem>>
        %dma_start3A = arith.constant 0 : i32
        %dma_start3A_53 = tpu.memref_slice %arg10[%scan3A_50, %dma_start3A] : memref<79x128xi32, #tpu.memory_space<vmem>> -> memref<1x128xi32, #tpu.memory_space<vmem>>
        %dma_start3A_54 = tpu.memref_squeeze %dma_start3A_53 : memref<1x128xi32, #tpu.memory_space<vmem>> -> memref<128xi32, #tpu.memory_space<vmem>>
        %dma_start3A_55 = arith.constant 0 : i32
        %dma_start3A_56 = arith.constant 0 : i32
        %dma_start3A_57 = tpu.memref_slice %arg8[%dma_start3A_55, %dma_start3A_56] : memref<10240x16xf32, #tpu.memory_space<vmem_shared>> -> memref<10240x16xf32, #tpu.memory_space<vmem_shared>>
        tpu.enqueue_indirect_dma source(%arg12 : memref<128x16xf32, #tpu.memory_space<vmem>>) target(%dma_start3A_57 : memref<10240x16xf32, #tpu.memory_space<vmem_shared>>) offsets(%dma_start3A_54 : memref<128xi32, #tpu.memory_space<vmem>>) semaphore(%run_scoped3A : memref<!tpu.dma_semaphore, #tpu.memory_space<semaphore_mem>>) {add = true}
        %dma_wait3A = arith.constant 0 : i32
        %dma_wait3A_58 = tpu.memref_slice %arg10[%scan3A_50, %dma_wait3A] : memref<79x128xi32, #tpu.memory_space<vmem>> -> memref<1x128xi32, #tpu.memory_space<vmem>>
        %dma_wait3A_59 = tpu.memref_squeeze %dma_wait3A_58 : memref<1x128xi32, #tpu.memory_space<vmem>> -> memref<128xi32, #tpu.memory_space<vmem>>
        %dma_wait3A_60 = arith.constant 0 : i32
        %dma_wait3A_61 = arith.constant 0 : i32
        %dma_wait3A_62 = tpu.memref_slice %arg8[%dma_wait3A_60, %dma_wait3A_61] : memref<10240x16xf32, #tpu.memory_space<vmem_shared>> -> memref<10240x16xf32, #tpu.memory_space<vmem_shared>>
        tpu.wait_indirect_dma semaphore(%run_scoped3A : memref<!tpu.dma_semaphore, #tpu.memory_space<semaphore_mem>>) src(%arg12 : memref<128x16xf32, #tpu.memory_space<vmem>>) dst(%dma_wait3A_62 : memref<10240x16xf32, #tpu.memory_space<vmem_shared>>)
        tpu.yield
      }) : () -> ()
      %scan3A_52 = arith.constant 0 : i32
      scf.yield %scan3A_52 : i32
    }
    %scan3A_38 = arith.constant 79 : i32
    %barrier3A_39 = arith.constant 0 : index
    tpu.barrier barrier_id(%barrier3A_39)
    %add3A_40 = arith.constant 0 : i32
    %add3A_41 = arith.addi %mul3A_2, %add3A_40 : i32
    "tpu.region"() ({
      %run_scoped3A = tpu.sem_alloc : memref<!tpu.dma_semaphore, #tpu.memory_space<semaphore_mem>>
      %dma_start3A = arith.constant 0 : i32
      %dma_start3A_50 = tpu.memref_slice %arg5[%arg0, %add3A_41, %dma_start3A] : memref<2x10240x64xf32, #tpu.memory_space<hbm>> -> memref<1x128x64xf32, #tpu.memory_space<hbm>>
      %dma_start3A_51 = tpu.memref_squeeze %dma_start3A_50 : memref<1x128x64xf32, #tpu.memory_space<hbm>> -> memref<128x64xf32, #tpu.memory_space<hbm>>
      %dma_start3A_52 = arith.constant 0 : i32
      %dma_start3A_53 = tpu.memref_slice %arg7[%add3A_41, %dma_start3A_52] : memref<10240x64xf32, #tpu.memory_space<vmem_shared>> -> memref<128x64xf32, #tpu.memory_space<vmem_shared>>
      tpu.enqueue_dma source(%dma_start3A_53 : memref<128x64xf32, #tpu.memory_space<vmem_shared>>) target(%dma_start3A_51 : memref<128x64xf32, #tpu.memory_space<hbm>>) target_semaphore(%run_scoped3A : memref<!tpu.dma_semaphore, #tpu.memory_space<semaphore_mem>>)
      %dma_wait3A = arith.constant 0 : i32
      %dma_wait3A_54 = tpu.memref_slice %arg5[%arg0, %add3A_41, %dma_wait3A] : memref<2x10240x64xf32, #tpu.memory_space<hbm>> -> memref<1x128x64xf32, #tpu.memory_space<hbm>>
      %dma_wait3A_55 = tpu.memref_squeeze %dma_wait3A_54 : memref<1x128x64xf32, #tpu.memory_space<hbm>> -> memref<128x64xf32, #tpu.memory_space<hbm>>
      %dma_wait3A_56 = arith.constant 0 : i32
      %dma_wait3A_57 = tpu.memref_slice %arg7[%add3A_41, %dma_wait3A_56] : memref<10240x64xf32, #tpu.memory_space<vmem_shared>> -> memref<128x64xf32, #tpu.memory_space<vmem_shared>>
      tpu.wait_dma2 semaphore(%run_scoped3A : memref<!tpu.dma_semaphore, #tpu.memory_space<semaphore_mem>>) src(%dma_wait3A_57 : memref<128x64xf32, #tpu.memory_space<vmem_shared>>) dst(%dma_wait3A_55 : memref<128x64xf32, #tpu.memory_space<hbm>>)
      tpu.yield
    }) : () -> ()
    "tpu.region"() ({
      %run_scoped3A = tpu.sem_alloc : memref<!tpu.dma_semaphore, #tpu.memory_space<semaphore_mem>>
      %dma_start3A = arith.constant 0 : i32
      %dma_start3A_50 = tpu.memref_slice %arg6[%arg0, %add3A_41, %dma_start3A] : memref<2x10240x16xf32, #tpu.memory_space<hbm>> -> memref<1x128x16xf32, #tpu.memory_space<hbm>>
      %dma_start3A_51 = tpu.memref_squeeze %dma_start3A_50 : memref<1x128x16xf32, #tpu.memory_space<hbm>> -> memref<128x16xf32, #tpu.memory_space<hbm>>
      %dma_start3A_52 = arith.constant 0 : i32
      %dma_start3A_53 = tpu.memref_slice %arg8[%add3A_41, %dma_start3A_52] : memref<10240x16xf32, #tpu.memory_space<vmem_shared>> -> memref<128x16xf32, #tpu.memory_space<vmem_shared>>
      tpu.enqueue_dma source(%dma_start3A_53 : memref<128x16xf32, #tpu.memory_space<vmem_shared>>) target(%dma_start3A_51 : memref<128x16xf32, #tpu.memory_space<hbm>>) target_semaphore(%run_scoped3A : memref<!tpu.dma_semaphore, #tpu.memory_space<semaphore_mem>>)
      %dma_wait3A = arith.constant 0 : i32
      %dma_wait3A_54 = tpu.memref_slice %arg6[%arg0, %add3A_41, %dma_wait3A] : memref<2x10240x16xf32, #tpu.memory_space<hbm>> -> memref<1x128x16xf32, #tpu.memory_space<hbm>>
      %dma_wait3A_55 = tpu.memref_squeeze %dma_wait3A_54 : memref<1x128x16xf32, #tpu.memory_space<hbm>> -> memref<128x16xf32, #tpu.memory_space<hbm>>
      %dma_wait3A_56 = arith.constant 0 : i32
      %dma_wait3A_57 = tpu.memref_slice %arg8[%add3A_41, %dma_wait3A_56] : memref<10240x16xf32, #tpu.memory_space<vmem_shared>> -> memref<128x16xf32, #tpu.memory_space<vmem_shared>>
      tpu.wait_dma2 semaphore(%run_scoped3A : memref<!tpu.dma_semaphore, #tpu.memory_space<semaphore_mem>>) src(%dma_wait3A_57 : memref<128x16xf32, #tpu.memory_space<vmem_shared>>) dst(%dma_wait3A_55 : memref<128x16xf32, #tpu.memory_space<hbm>>)
      tpu.yield
    }) : () -> ()
    %add3A_42 = arith.constant 128 : i32
    %add3A_43 = arith.addi %mul3A_2, %add3A_42 : i32
    "tpu.region"() ({
      %run_scoped3A = tpu.sem_alloc : memref<!tpu.dma_semaphore, #tpu.memory_space<semaphore_mem>>
      %dma_start3A = arith.constant 0 : i32
      %dma_start3A_50 = tpu.memref_slice %arg5[%arg0, %add3A_43, %dma_start3A] : memref<2x10240x64xf32, #tpu.memory_space<hbm>> -> memref<1x128x64xf32, #tpu.memory_space<hbm>>
      %dma_start3A_51 = tpu.memref_squeeze %dma_start3A_50 : memref<1x128x64xf32, #tpu.memory_space<hbm>> -> memref<128x64xf32, #tpu.memory_space<hbm>>
      %dma_start3A_52 = arith.constant 0 : i32
      %dma_start3A_53 = tpu.memref_slice %arg7[%add3A_43, %dma_start3A_52] : memref<10240x64xf32, #tpu.memory_space<vmem_shared>> -> memref<128x64xf32, #tpu.memory_space<vmem_shared>>
      tpu.enqueue_dma source(%dma_start3A_53 : memref<128x64xf32, #tpu.memory_space<vmem_shared>>) target(%dma_start3A_51 : memref<128x64xf32, #tpu.memory_space<hbm>>) target_semaphore(%run_scoped3A : memref<!tpu.dma_semaphore, #tpu.memory_space<semaphore_mem>>)
      %dma_wait3A = arith.constant 0 : i32
      %dma_wait3A_54 = tpu.memref_slice %arg5[%arg0, %add3A_43, %dma_wait3A] : memref<2x10240x64xf32, #tpu.memory_space<hbm>> -> memref<1x128x64xf32, #tpu.memory_space<hbm>>
      %dma_wait3A_55 = tpu.memref_squeeze %dma_wait3A_54 : memref<1x128x64xf32, #tpu.memory_space<hbm>> -> memref<128x64xf32, #tpu.memory_space<hbm>>
      %dma_wait3A_56 = arith.constant 0 : i32
      %dma_wait3A_57 = tpu.memref_slice %arg7[%add3A_43, %dma_wait3A_56] : memref<10240x64xf32, #tpu.memory_space<vmem_shared>> -> memref<128x64xf32, #tpu.memory_space<vmem_shared>>
      tpu.wait_dma2 semaphore(%run_scoped3A : memref<!tpu.dma_semaphore, #tpu.memory_space<semaphore_mem>>) src(%dma_wait3A_57 : memref<128x64xf32, #tpu.memory_space<vmem_shared>>) dst(%dma_wait3A_55 : memref<128x64xf32, #tpu.memory_space<hbm>>)
      tpu.yield
    }) : () -> ()
    "tpu.region"() ({
      %run_scoped3A = tpu.sem_alloc : memref<!tpu.dma_semaphore, #tpu.memory_space<semaphore_mem>>
      %dma_start3A = arith.constant 0 : i32
      %dma_start3A_50 = tpu.memref_slice %arg6[%arg0, %add3A_43, %dma_start3A] : memref<2x10240x16xf32, #tpu.memory_space<hbm>> -> memref<1x128x16xf32, #tpu.memory_space<hbm>>
      %dma_start3A_51 = tpu.memref_squeeze %dma_start3A_50 : memref<1x128x16xf32, #tpu.memory_space<hbm>> -> memref<128x16xf32, #tpu.memory_space<hbm>>
      %dma_start3A_52 = arith.constant 0 : i32
      %dma_start3A_53 = tpu.memref_slice %arg8[%add3A_43, %dma_start3A_52] : memref<10240x16xf32, #tpu.memory_space<vmem_shared>> -> memref<128x16xf32, #tpu.memory_space<vmem_shared>>
      tpu.enqueue_dma source(%dma_start3A_53 : memref<128x16xf32, #tpu.memory_space<vmem_shared>>) target(%dma_start3A_51 : memref<128x16xf32, #tpu.memory_space<hbm>>) target_semaphore(%run_scoped3A : memref<!tpu.dma_semaphore, #tpu.memory_space<semaphore_mem>>)
      %dma_wait3A = arith.constant 0 : i32
      %dma_wait3A_54 = tpu.memref_slice %arg6[%arg0, %add3A_43, %dma_wait3A] : memref<2x10240x16xf32, #tpu.memory_space<hbm>> -> memref<1x128x16xf32, #tpu.memory_space<hbm>>
      %dma_wait3A_55 = tpu.memref_squeeze %dma_wait3A_54 : memref<1x128x16xf32, #tpu.memory_space<hbm>> -> memref<128x16xf32, #tpu.memory_space<hbm>>
      %dma_wait3A_56 = arith.constant 0 : i32
      %dma_wait3A_57 = tpu.memref_slice %arg8[%add3A_43, %dma_wait3A_56] : memref<10240x16xf32, #tpu.memory_space<vmem_shared>> -> memref<128x16xf32, #tpu.memory_space<vmem_shared>>
      tpu.wait_dma2 semaphore(%run_scoped3A : memref<!tpu.dma_semaphore, #tpu.memory_space<semaphore_mem>>) src(%dma_wait3A_57 : memref<128x16xf32, #tpu.memory_space<vmem_shared>>) dst(%dma_wait3A_55 : memref<128x16xf32, #tpu.memory_space<hbm>>)
      tpu.yield
    }) : () -> ()
    %add3A_44 = arith.constant 256 : i32
    %add3A_45 = arith.addi %mul3A_2, %add3A_44 : i32
    "tpu.region"() ({
      %run_scoped3A = tpu.sem_alloc : memref<!tpu.dma_semaphore, #tpu.memory_space<semaphore_mem>>
      %dma_start3A = arith.constant 0 : i32
      %dma_start3A_50 = tpu.memref_slice %arg5[%arg0, %add3A_45, %dma_start3A] : memref<2x10240x64xf32, #tpu.memory_space<hbm>> -> memref<1x128x64xf32, #tpu.memory_space<hbm>>
      %dma_start3A_51 = tpu.memref_squeeze %dma_start3A_50 : memref<1x128x64xf32, #tpu.memory_space<hbm>> -> memref<128x64xf32, #tpu.memory_space<hbm>>
      %dma_start3A_52 = arith.constant 0 : i32
      %dma_start3A_53 = tpu.memref_slice %arg7[%add3A_45, %dma_start3A_52] : memref<10240x64xf32, #tpu.memory_space<vmem_shared>> -> memref<128x64xf32, #tpu.memory_space<vmem_shared>>
      tpu.enqueue_dma source(%dma_start3A_53 : memref<128x64xf32, #tpu.memory_space<vmem_shared>>) target(%dma_start3A_51 : memref<128x64xf32, #tpu.memory_space<hbm>>) target_semaphore(%run_scoped3A : memref<!tpu.dma_semaphore, #tpu.memory_space<semaphore_mem>>)
      %dma_wait3A = arith.constant 0 : i32
      %dma_wait3A_54 = tpu.memref_slice %arg5[%arg0, %add3A_45, %dma_wait3A] : memref<2x10240x64xf32, #tpu.memory_space<hbm>> -> memref<1x128x64xf32, #tpu.memory_space<hbm>>
      %dma_wait3A_55 = tpu.memref_squeeze %dma_wait3A_54 : memref<1x128x64xf32, #tpu.memory_space<hbm>> -> memref<128x64xf32, #tpu.memory_space<hbm>>
      %dma_wait3A_56 = arith.constant 0 : i32
      %dma_wait3A_57 = tpu.memref_slice %arg7[%add3A_45, %dma_wait3A_56] : memref<10240x64xf32, #tpu.memory_space<vmem_shared>> -> memref<128x64xf32, #tpu.memory_space<vmem_shared>>
      tpu.wait_dma2 semaphore(%run_scoped3A : memref<!tpu.dma_semaphore, #tpu.memory_space<semaphore_mem>>) src(%dma_wait3A_57 : memref<128x64xf32, #tpu.memory_space<vmem_shared>>) dst(%dma_wait3A_55 : memref<128x64xf32, #tpu.memory_space<hbm>>)
      tpu.yield
    }) : () -> ()
    "tpu.region"() ({
      %run_scoped3A = tpu.sem_alloc : memref<!tpu.dma_semaphore, #tpu.memory_space<semaphore_mem>>
      %dma_start3A = arith.constant 0 : i32
      %dma_start3A_50 = tpu.memref_slice %arg6[%arg0, %add3A_45, %dma_start3A] : memref<2x10240x16xf32, #tpu.memory_space<hbm>> -> memref<1x128x16xf32, #tpu.memory_space<hbm>>
      %dma_start3A_51 = tpu.memref_squeeze %dma_start3A_50 : memref<1x128x16xf32, #tpu.memory_space<hbm>> -> memref<128x16xf32, #tpu.memory_space<hbm>>
      %dma_start3A_52 = arith.constant 0 : i32
      %dma_start3A_53 = tpu.memref_slice %arg8[%add3A_45, %dma_start3A_52] : memref<10240x16xf32, #tpu.memory_space<vmem_shared>> -> memref<128x16xf32, #tpu.memory_space<vmem_shared>>
      tpu.enqueue_dma source(%dma_start3A_53 : memref<128x16xf32, #tpu.memory_space<vmem_shared>>) target(%dma_start3A_51 : memref<128x16xf32, #tpu.memory_space<hbm>>) target_semaphore(%run_scoped3A : memref<!tpu.dma_semaphore, #tpu.memory_space<semaphore_mem>>)
      %dma_wait3A = arith.constant 0 : i32
      %dma_wait3A_54 = tpu.memref_slice %arg6[%arg0, %add3A_45, %dma_wait3A] : memref<2x10240x16xf32, #tpu.memory_space<hbm>> -> memref<1x128x16xf32, #tpu.memory_space<hbm>>
      %dma_wait3A_55 = tpu.memref_squeeze %dma_wait3A_54 : memref<1x128x16xf32, #tpu.memory_space<hbm>> -> memref<128x16xf32, #tpu.memory_space<hbm>>
      %dma_wait3A_56 = arith.constant 0 : i32
      %dma_wait3A_57 = tpu.memref_slice %arg8[%add3A_45, %dma_wait3A_56] : memref<10240x16xf32, #tpu.memory_space<vmem_shared>> -> memref<128x16xf32, #tpu.memory_space<vmem_shared>>
      tpu.wait_dma2 semaphore(%run_scoped3A : memref<!tpu.dma_semaphore, #tpu.memory_space<semaphore_mem>>) src(%dma_wait3A_57 : memref<128x16xf32, #tpu.memory_space<vmem_shared>>) dst(%dma_wait3A_55 : memref<128x16xf32, #tpu.memory_space<hbm>>)
      tpu.yield
    }) : () -> ()
    %add3A_46 = arith.constant 384 : i32
    %add3A_47 = arith.addi %mul3A_2, %add3A_46 : i32
    "tpu.region"() ({
      %run_scoped3A = tpu.sem_alloc : memref<!tpu.dma_semaphore, #tpu.memory_space<semaphore_mem>>
      %dma_start3A = arith.constant 0 : i32
      %dma_start3A_50 = tpu.memref_slice %arg5[%arg0, %add3A_47, %dma_start3A] : memref<2x10240x64xf32, #tpu.memory_space<hbm>> -> memref<1x128x64xf32, #tpu.memory_space<hbm>>
      %dma_start3A_51 = tpu.memref_squeeze %dma_start3A_50 : memref<1x128x64xf32, #tpu.memory_space<hbm>> -> memref<128x64xf32, #tpu.memory_space<hbm>>
      %dma_start3A_52 = arith.constant 0 : i32
      %dma_start3A_53 = tpu.memref_slice %arg7[%add3A_47, %dma_start3A_52] : memref<10240x64xf32, #tpu.memory_space<vmem_shared>> -> memref<128x64xf32, #tpu.memory_space<vmem_shared>>
      tpu.enqueue_dma source(%dma_start3A_53 : memref<128x64xf32, #tpu.memory_space<vmem_shared>>) target(%dma_start3A_51 : memref<128x64xf32, #tpu.memory_space<hbm>>) target_semaphore(%run_scoped3A : memref<!tpu.dma_semaphore, #tpu.memory_space<semaphore_mem>>)
      %dma_wait3A = arith.constant 0 : i32
      %dma_wait3A_54 = tpu.memref_slice %arg5[%arg0, %add3A_47, %dma_wait3A] : memref<2x10240x64xf32, #tpu.memory_space<hbm>> -> memref<1x128x64xf32, #tpu.memory_space<hbm>>
      %dma_wait3A_55 = tpu.memref_squeeze %dma_wait3A_54 : memref<1x128x64xf32, #tpu.memory_space<hbm>> -> memref<128x64xf32, #tpu.memory_space<hbm>>
      %dma_wait3A_56 = arith.constant 0 : i32
      %dma_wait3A_57 = tpu.memref_slice %arg7[%add3A_47, %dma_wait3A_56] : memref<10240x64xf32, #tpu.memory_space<vmem_shared>> -> memref<128x64xf32, #tpu.memory_space<vmem_shared>>
      tpu.wait_dma2 semaphore(%run_scoped3A : memref<!tpu.dma_semaphore, #tpu.memory_space<semaphore_mem>>) src(%dma_wait3A_57 : memref<128x64xf32, #tpu.memory_space<vmem_shared>>) dst(%dma_wait3A_55 : memref<128x64xf32, #tpu.memory_space<hbm>>)
      tpu.yield
    }) : () -> ()
    "tpu.region"() ({
      %run_scoped3A = tpu.sem_alloc : memref<!tpu.dma_semaphore, #tpu.memory_space<semaphore_mem>>
      %dma_start3A = arith.constant 0 : i32
      %dma_start3A_50 = tpu.memref_slice %arg6[%arg0, %add3A_47, %dma_start3A] : memref<2x10240x16xf32, #tpu.memory_space<hbm>> -> memref<1x128x16xf32, #tpu.memory_space<hbm>>
      %dma_start3A_51 = tpu.memref_squeeze %dma_start3A_50 : memref<1x128x16xf32, #tpu.memory_space<hbm>> -> memref<128x16xf32, #tpu.memory_space<hbm>>
      %dma_start3A_52 = arith.constant 0 : i32
      %dma_start3A_53 = tpu.memref_slice %arg8[%add3A_47, %dma_start3A_52] : memref<10240x16xf32, #tpu.memory_space<vmem_shared>> -> memref<128x16xf32, #tpu.memory_space<vmem_shared>>
      tpu.enqueue_dma source(%dma_start3A_53 : memref<128x16xf32, #tpu.memory_space<vmem_shared>>) target(%dma_start3A_51 : memref<128x16xf32, #tpu.memory_space<hbm>>) target_semaphore(%run_scoped3A : memref<!tpu.dma_semaphore, #tpu.memory_space<semaphore_mem>>)
      %dma_wait3A = arith.constant 0 : i32
      %dma_wait3A_54 = tpu.memref_slice %arg6[%arg0, %add3A_47, %dma_wait3A] : memref<2x10240x16xf32, #tpu.memory_space<hbm>> -> memref<1x128x16xf32, #tpu.memory_space<hbm>>
      %dma_wait3A_55 = tpu.memref_squeeze %dma_wait3A_54 : memref<1x128x16xf32, #tpu.memory_space<hbm>> -> memref<128x16xf32, #tpu.memory_space<hbm>>
      %dma_wait3A_56 = arith.constant 0 : i32
      %dma_wait3A_57 = tpu.memref_slice %arg8[%add3A_47, %dma_wait3A_56] : memref<10240x16xf32, #tpu.memory_space<vmem_shared>> -> memref<128x16xf32, #tpu.memory_space<vmem_shared>>
      tpu.wait_dma2 semaphore(%run_scoped3A : memref<!tpu.dma_semaphore, #tpu.memory_space<semaphore_mem>>) src(%dma_wait3A_57 : memref<128x16xf32, #tpu.memory_space<vmem_shared>>) dst(%dma_wait3A_55 : memref<128x16xf32, #tpu.memory_space<hbm>>)
      tpu.yield
    }) : () -> ()
    %add3A_48 = arith.constant 512 : i32
    %add3A_49 = arith.addi %mul3A_2, %add3A_48 : i32
    "tpu.region"() ({
      %run_scoped3A = tpu.sem_alloc : memref<!tpu.dma_semaphore, #tpu.memory_space<semaphore_mem>>
      %dma_start3A = arith.constant 0 : i32
      %dma_start3A_50 = tpu.memref_slice %arg5[%arg0, %add3A_49, %dma_start3A] : memref<2x10240x64xf32, #tpu.memory_space<hbm>> -> memref<1x128x64xf32, #tpu.memory_space<hbm>>
      %dma_start3A_51 = tpu.memref_squeeze %dma_start3A_50 : memref<1x128x64xf32, #tpu.memory_space<hbm>> -> memref<128x64xf32, #tpu.memory_space<hbm>>
      %dma_start3A_52 = arith.constant 0 : i32
      %dma_start3A_53 = tpu.memref_slice %arg7[%add3A_49, %dma_start3A_52] : memref<10240x64xf32, #tpu.memory_space<vmem_shared>> -> memref<128x64xf32, #tpu.memory_space<vmem_shared>>
      tpu.enqueue_dma source(%dma_start3A_53 : memref<128x64xf32, #tpu.memory_space<vmem_shared>>) target(%dma_start3A_51 : memref<128x64xf32, #tpu.memory_space<hbm>>) target_semaphore(%run_scoped3A : memref<!tpu.dma_semaphore, #tpu.memory_space<semaphore_mem>>)
      %dma_wait3A = arith.constant 0 : i32
      %dma_wait3A_54 = tpu.memref_slice %arg5[%arg0, %add3A_49, %dma_wait3A] : memref<2x10240x64xf32, #tpu.memory_space<hbm>> -> memref<1x128x64xf32, #tpu.memory_space<hbm>>
      %dma_wait3A_55 = tpu.memref_squeeze %dma_wait3A_54 : memref<1x128x64xf32, #tpu.memory_space<hbm>> -> memref<128x64xf32, #tpu.memory_space<hbm>>
      %dma_wait3A_56 = arith.constant 0 : i32
      %dma_wait3A_57 = tpu.memref_slice %arg7[%add3A_49, %dma_wait3A_56] : memref<10240x64xf32, #tpu.memory_space<vmem_shared>> -> memref<128x64xf32, #tpu.memory_space<vmem_shared>>
      tpu.wait_dma2 semaphore(%run_scoped3A : memref<!tpu.dma_semaphore, #tpu.memory_space<semaphore_mem>>) src(%dma_wait3A_57 : memref<128x64xf32, #tpu.memory_space<vmem_shared>>) dst(%dma_wait3A_55 : memref<128x64xf32, #tpu.memory_space<hbm>>)
      tpu.yield
    }) : () -> ()
    "tpu.region"() ({
      %run_scoped3A = tpu.sem_alloc : memref<!tpu.dma_semaphore, #tpu.memory_space<semaphore_mem>>
      %dma_start3A = arith.constant 0 : i32
      %dma_start3A_50 = tpu.memref_slice %arg6[%arg0, %add3A_49, %dma_start3A] : memref<2x10240x16xf32, #tpu.memory_space<hbm>> -> memref<1x128x16xf32, #tpu.memory_space<hbm>>
      %dma_start3A_51 = tpu.memref_squeeze %dma_start3A_50 : memref<1x128x16xf32, #tpu.memory_space<hbm>> -> memref<128x16xf32, #tpu.memory_space<hbm>>
      %dma_start3A_52 = arith.constant 0 : i32
      %dma_start3A_53 = tpu.memref_slice %arg8[%add3A_49, %dma_start3A_52] : memref<10240x16xf32, #tpu.memory_space<vmem_shared>> -> memref<128x16xf32, #tpu.memory_space<vmem_shared>>
      tpu.enqueue_dma source(%dma_start3A_53 : memref<128x16xf32, #tpu.memory_space<vmem_shared>>) target(%dma_start3A_51 : memref<128x16xf32, #tpu.memory_space<hbm>>) target_semaphore(%run_scoped3A : memref<!tpu.dma_semaphore, #tpu.memory_space<semaphore_mem>>)
      %dma_wait3A = arith.constant 0 : i32
      %dma_wait3A_54 = tpu.memref_slice %arg6[%arg0, %add3A_49, %dma_wait3A] : memref<2x10240x16xf32, #tpu.memory_space<hbm>> -> memref<1x128x16xf32, #tpu.memory_space<hbm>>
      %dma_wait3A_55 = tpu.memref_squeeze %dma_wait3A_54 : memref<1x128x16xf32, #tpu.memory_space<hbm>> -> memref<128x16xf32, #tpu.memory_space<hbm>>
      %dma_wait3A_56 = arith.constant 0 : i32
      %dma_wait3A_57 = tpu.memref_slice %arg8[%add3A_49, %dma_wait3A_56] : memref<10240x16xf32, #tpu.memory_space<vmem_shared>> -> memref<128x16xf32, #tpu.memory_space<vmem_shared>>
      tpu.wait_dma2 semaphore(%run_scoped3A : memref<!tpu.dma_semaphore, #tpu.memory_space<semaphore_mem>>) src(%dma_wait3A_57 : memref<128x16xf32, #tpu.memory_space<vmem_shared>>) dst(%dma_wait3A_55 : memref<128x16xf32, #tpu.memory_space<hbm>>)
      tpu.yield
    }) : () -> ()
    return
  }
}

module attributes {stable_mosaic.version = 14 : i64} {
  func.func @_in_embed_tc(%arg0: memref<10000x128xf32, #tpu.memory_space<vmem>>, %arg1: memref<64x128xf32, #tpu.memory_space<vmem>>, %arg2: memref<10000x64xf32, #tpu.memory_space<vmem>>) attributes {dimension_semantics = [], scalar_prefetch = 0 : i64, scratch_operands = 0 : i64, tpu.core_type = #tpu.core_type<tc>} {
    %get3A = arith.constant 0 : index
    %get3A_0 = arith.constant 0 : index
    %get3A_1 = vector.load %arg0[%get3A, %get3A_0] : memref<10000x128xf32, #tpu.memory_space<vmem>>, vector<10000x128xf32>
    %get3A_2 = arith.constant 0 : index
    %get3A_3 = arith.constant 0 : index
    %get3A_4 = vector.load %arg1[%get3A_2, %get3A_3] : memref<64x128xf32, #tpu.memory_space<vmem>>, vector<64x128xf32>
    %mul3A = arith.mulf %get3A_1, %get3A_1 : vector<10000x128xf32>
    %reduce_sum3A = arith.constant dense<0.000000e+00> : vector<10000xf32>
    %reduce_sum3A_5 = vector.multi_reduction <add>, %mul3A, %reduce_sum3A [1] : vector<10000x128xf32> to vector<10000xf32>
    %broadcast_in_dim3A = vector.shape_cast %reduce_sum3A_5 : vector<10000xf32> to vector<10000x1xf32>
    %sqrt3A = math.sqrt %broadcast_in_dim3A : vector<10000x1xf32>
    %add3A = arith.constant 9.99999997E-7 : f32
    %add3A_6 = vector.broadcast %add3A : f32 to vector<10000x1xf32>
    %add3A_7 = arith.addf %sqrt3A, %add3A_6 : vector<10000x1xf32>
    %div3A = vector.broadcast %add3A_7 : vector<10000x1xf32> to vector<10000x128xf32>
    %div3A_8 = arith.divf %get3A_1, %div3A : vector<10000x128xf32>
    %mul3A_9 = arith.mulf %get3A_4, %get3A_4 : vector<64x128xf32>
    %reduce_sum3A_10 = arith.constant dense<0.000000e+00> : vector<64xf32>
    %reduce_sum3A_11 = vector.multi_reduction <add>, %mul3A_9, %reduce_sum3A_10 [1] : vector<64x128xf32> to vector<64xf32>
    %broadcast_in_dim3A_12 = vector.shape_cast %reduce_sum3A_11 : vector<64xf32> to vector<64x1xf32>
    %sqrt3A_13 = math.sqrt %broadcast_in_dim3A_12 : vector<64x1xf32>
    %add3A_14 = arith.constant 9.99999997E-7 : f32
    %add3A_15 = vector.broadcast %add3A_14 : f32 to vector<64x1xf32>
    %add3A_16 = arith.addf %sqrt3A_13, %add3A_15 : vector<64x1xf32>
    %div3A_17 = vector.broadcast %add3A_16 : vector<64x1xf32> to vector<64x128xf32>
    %div3A_18 = arith.divf %get3A_4, %div3A_17 : vector<64x128xf32>
    %mul3A_19 = arith.mulf %div3A_8, %div3A_8 : vector<10000x128xf32>
    %reduce_sum3A_20 = arith.constant dense<0.000000e+00> : vector<10000xf32>
    %reduce_sum3A_21 = vector.multi_reduction <add>, %mul3A_19, %reduce_sum3A_20 [1] : vector<10000x128xf32> to vector<10000xf32>
    %broadcast_in_dim3A_22 = vector.shape_cast %reduce_sum3A_21 : vector<10000xf32> to vector<10000x1xf32>
    %dot_general3A = arith.constant dense<0.000000e+00> : vector<10000x64xf32>
    %dot_general3A_23 = tpu.matmul %div3A_8, %div3A_18, %dot_general3A {dimension_numbers = #tpu.dot_dimension_numbers<[1], [1], [0], [0], [0, 0, 1, 0], [], []>, transpose_lhs_hint = false} : vector<10000x128xf32>, vector<64x128xf32>, vector<10000x64xf32> -> vector<10000x64xf32>
    %mul3A_24 = arith.constant 2.000000e+00 : f32
    %mul3A_25 = vector.broadcast %mul3A_24 : f32 to vector<10000x64xf32>
    %mul3A_26 = arith.mulf %mul3A_25, %dot_general3A_23 : vector<10000x64xf32>
    %sub3A = vector.broadcast %broadcast_in_dim3A_22 : vector<10000x1xf32> to vector<10000x64xf32>
    %sub3A_27 = arith.subf %sub3A, %mul3A_26 : vector<10000x64xf32>
    %mul3A_28 = arith.mulf %div3A_18, %div3A_18 : vector<64x128xf32>
    %reduce_sum3A_29 = arith.constant dense<0.000000e+00> : vector<64xf32>
    %reduce_sum3A_30 = vector.multi_reduction <add>, %mul3A_28, %reduce_sum3A_29 [1] : vector<64x128xf32> to vector<64xf32>
    %broadcast_in_dim3A_31 = vector.shape_cast %reduce_sum3A_30 : vector<64xf32> to vector<1x64xf32>
    %add3A_32 = vector.broadcast %broadcast_in_dim3A_31 : vector<1x64xf32> to vector<10000x64xf32>
    %add3A_33 = arith.addf %sub3A_27, %add3A_32 : vector<10000x64xf32>
    %neg3A = arith.constant 0.000000e+00 : f32
    %neg3A_34 = vector.broadcast %neg3A : f32 to vector<10000x64xf32>
    %neg3A_35 = arith.subf %neg3A_34, %add3A_33 : vector<10000x64xf32>
    %div3A_36 = arith.constant 5.000000e-01 : f32
    %div3A_37 = vector.broadcast %div3A_36 : f32 to vector<10000x64xf32>
    %div3A_38 = arith.divf %neg3A_35, %div3A_37 : vector<10000x64xf32>
    %exp3A = math.exp %div3A_38 : vector<10000x64xf32>
    %swap3A = arith.constant 0 : index
    %swap3A_39 = arith.constant 0 : index
    %swap3A_40 = vector.load %arg2[%swap3A, %swap3A_39] : memref<10000x64xf32, #tpu.memory_space<vmem>>, vector<10000x64xf32>
    tpu.vector_store %arg2[%swap3A, %swap3A_39], %exp3A {strides = array<i32>} : memref<10000x64xf32, #tpu.memory_space<vmem>>, vector<10000x64xf32>,
    return
  }
}

module attributes {stable_mosaic.version = 14 : i64} {
  func.func @_layer_tc(%arg0: memref<2x10240x64xf32, #tpu.memory_space<vmem>>, %arg1: memref<2x10240x16xf32, #tpu.memory_space<vmem>>, %arg2: memref<1x64xf32, #tpu.memory_space<vmem>>, %arg3: memref<64x64xf32, #tpu.memory_space<vmem>>, %arg4: memref<10000x64xf32, #tpu.memory_space<vmem>>, %arg5: memref<10000x64xf32, #tpu.memory_space<vmem>>) attributes {dimension_semantics = [], scalar_prefetch = 0 : i64, scratch_operands = 0 : i64, tpu.core_type = #tpu.core_type<tc>} {
    %get3A = arith.constant 0 : index
    %get3A_0 = arith.constant 0 : index
    %get3A_1 = arith.constant 0 : index
    %get3A_2 = vector.load %arg0[%get3A, %get3A_0, %get3A_1] : memref<2x10240x64xf32, #tpu.memory_space<vmem>>, vector<1x10000x64xf32>
    %get3A_3 = vector.shape_cast %get3A_2 : vector<1x10000x64xf32> to vector<10000x64xf32>
    %get3A_4 = arith.constant 1 : index
    %get3A_5 = arith.constant 0 : index
    %get3A_6 = arith.constant 0 : index
    %get3A_7 = vector.load %arg0[%get3A_4, %get3A_5, %get3A_6] : memref<2x10240x64xf32, #tpu.memory_space<vmem>>, vector<1x10000x64xf32>
    %get3A_8 = vector.shape_cast %get3A_7 : vector<1x10000x64xf32> to vector<10000x64xf32>
    %add3A = arith.addf %get3A_3, %get3A_8 : vector<10000x64xf32>
    %get3A_9 = arith.constant 0 : index
    %get3A_10 = arith.constant 0 : index
    %get3A_11 = arith.constant 0 : index
    %get3A_12 = vector.load %arg1[%get3A_9, %get3A_10, %get3A_11] : memref<2x10240x16xf32, #tpu.memory_space<vmem>>, vector<1x10000x1xf32>
    %get3A_13 = vector.shape_cast %get3A_12 : vector<1x10000x1xf32> to vector<10000x1xf32>
    %get3A_14 = arith.constant 1 : index
    %get3A_15 = arith.constant 0 : index
    %get3A_16 = arith.constant 0 : index
    %get3A_17 = vector.load %arg1[%get3A_14, %get3A_15, %get3A_16] : memref<2x10240x16xf32, #tpu.memory_space<vmem>>, vector<1x10000x1xf32>
    %get3A_18 = vector.shape_cast %get3A_17 : vector<1x10000x1xf32> to vector<10000x1xf32>
    %add3A_19 = arith.addf %get3A_13, %get3A_18 : vector<10000x1xf32>
    %max3A = arith.constant 1.000000e+00 : f32
    %max3A_20 = vector.broadcast %max3A : f32 to vector<10000x1xf32>
    %max3A_21 = arith.maximumf %add3A_19, %max3A_20 : vector<10000x1xf32>
    %div3A = vector.broadcast %max3A_21 : vector<10000x1xf32> to vector<10000x64xf32>
    %div3A_22 = arith.divf %add3A, %div3A : vector<10000x64xf32>
    %get3A_23 = arith.constant 0 : index
    %get3A_24 = arith.constant 0 : index
    %get3A_25 = vector.load %arg2[%get3A_23, %get3A_24] : memref<1x64xf32, #tpu.memory_space<vmem>>, vector<1x64xf32>
    %sub3A = vector.broadcast %get3A_25 : vector<1x64xf32> to vector<10000x64xf32>
    %sub3A_26 = arith.subf %div3A_22, %sub3A : vector<10000x64xf32>
    %div3A_27 = arith.constant 2.500000e-01 : f32
    %div3A_28 = vector.broadcast %div3A_27 : f32 to vector<10000x64xf32>
    %div3A_29 = arith.divf %sub3A_26, %div3A_28 : vector<10000x64xf32>
    %get3A_30 = arith.constant 0 : index
    %get3A_31 = arith.constant 0 : index
    %get3A_32 = vector.load %arg3[%get3A_30, %get3A_31] : memref<64x64xf32, #tpu.memory_space<vmem>>, vector<64x64xf32>
    %mul3A = arith.mulf %div3A_29, %div3A_29 : vector<10000x64xf32>
    %reduce_sum3A = arith.constant dense<0.000000e+00> : vector<10000xf32>
    %reduce_sum3A_33 = vector.multi_reduction <add>, %mul3A, %reduce_sum3A [1] : vector<10000x64xf32> to vector<10000xf32>
    %broadcast_in_dim3A = vector.shape_cast %reduce_sum3A_33 : vector<10000xf32> to vector<10000x1xf32>
    %sqrt3A = math.sqrt %broadcast_in_dim3A : vector<10000x1xf32>
    %add3A_34 = arith.constant 9.99999997E-7 : f32
    %add3A_35 = vector.broadcast %add3A_34 : f32 to vector<10000x1xf32>
    %add3A_36 = arith.addf %sqrt3A, %add3A_35 : vector<10000x1xf32>
    %div3A_37 = vector.broadcast %add3A_36 : vector<10000x1xf32> to vector<10000x64xf32>
    %div3A_38 = arith.divf %div3A_29, %div3A_37 : vector<10000x64xf32>
    %mul3A_39 = arith.mulf %get3A_32, %get3A_32 : vector<64x64xf32>
    %reduce_sum3A_40 = arith.constant dense<0.000000e+00> : vector<64xf32>
    %reduce_sum3A_41 = vector.multi_reduction <add>, %mul3A_39, %reduce_sum3A_40 [1] : vector<64x64xf32> to vector<64xf32>
    %broadcast_in_dim3A_42 = vector.shape_cast %reduce_sum3A_41 : vector<64xf32> to vector<64x1xf32>
    %sqrt3A_43 = math.sqrt %broadcast_in_dim3A_42 : vector<64x1xf32>
    %add3A_44 = arith.constant 9.99999997E-7 : f32
    %add3A_45 = vector.broadcast %add3A_44 : f32 to vector<64x1xf32>
    %add3A_46 = arith.addf %sqrt3A_43, %add3A_45 : vector<64x1xf32>
    %div3A_47 = vector.broadcast %add3A_46 : vector<64x1xf32> to vector<64x64xf32>
    %div3A_48 = arith.divf %get3A_32, %div3A_47 : vector<64x64xf32>
    %mul3A_49 = arith.mulf %div3A_38, %div3A_38 : vector<10000x64xf32>
    %reduce_sum3A_50 = arith.constant dense<0.000000e+00> : vector<10000xf32>
    %reduce_sum3A_51 = vector.multi_reduction <add>, %mul3A_49, %reduce_sum3A_50 [1] : vector<10000x64xf32> to vector<10000xf32>
    %broadcast_in_dim3A_52 = vector.shape_cast %reduce_sum3A_51 : vector<10000xf32> to vector<10000x1xf32>
    %dot_general3A = arith.constant dense<0.000000e+00> : vector<10000x64xf32>
    %dot_general3A_53 = tpu.matmul %div3A_38, %div3A_48, %dot_general3A {dimension_numbers = #tpu.dot_dimension_numbers<[1], [1], [0], [0], [0, 0, 1, 0], [], []>, transpose_lhs_hint = false} : vector<10000x64xf32>, vector<64x64xf32>, vector<10000x64xf32> -> vector<10000x64xf32>
    %mul3A_54 = arith.constant 2.000000e+00 : f32
    %mul3A_55 = vector.broadcast %mul3A_54 : f32 to vector<10000x64xf32>
    %mul3A_56 = arith.mulf %mul3A_55, %dot_general3A_53 : vector<10000x64xf32>
    %sub3A_57 = vector.broadcast %broadcast_in_dim3A_52 : vector<10000x1xf32> to vector<10000x64xf32>
    %sub3A_58 = arith.subf %sub3A_57, %mul3A_56 : vector<10000x64xf32>
    %mul3A_59 = arith.mulf %div3A_48, %div3A_48 : vector<64x64xf32>
    %reduce_sum3A_60 = arith.constant dense<0.000000e+00> : vector<64xf32>
    %reduce_sum3A_61 = vector.multi_reduction <add>, %mul3A_59, %reduce_sum3A_60 [1] : vector<64x64xf32> to vector<64xf32>
    %broadcast_in_dim3A_62 = vector.shape_cast %reduce_sum3A_61 : vector<64xf32> to vector<1x64xf32>
    %add3A_63 = vector.broadcast %broadcast_in_dim3A_62 : vector<1x64xf32> to vector<10000x64xf32>
    %add3A_64 = arith.addf %sub3A_58, %add3A_63 : vector<10000x64xf32>
    %neg3A = arith.constant 0.000000e+00 : f32
    %neg3A_65 = vector.broadcast %neg3A : f32 to vector<10000x64xf32>
    %neg3A_66 = arith.subf %neg3A_65, %add3A_64 : vector<10000x64xf32>
    %div3A_67 = arith.constant 5.000000e-01 : f32
    %div3A_68 = vector.broadcast %div3A_67 : f32 to vector<10000x64xf32>
    %div3A_69 = arith.divf %neg3A_66, %div3A_68 : vector<10000x64xf32>
    %exp3A = math.exp %div3A_69 : vector<10000x64xf32>
    %get3A_70 = arith.constant 0 : index
    %get3A_71 = arith.constant 0 : index
    %get3A_72 = vector.load %arg4[%get3A_70, %get3A_71] : memref<10000x64xf32, #tpu.memory_space<vmem>>, vector<10000x64xf32>
    %add3A_73 = arith.addf %exp3A, %get3A_72 : vector<10000x64xf32>
    %swap3A = arith.constant 0 : index
    %swap3A_74 = arith.constant 0 : index
    %swap3A_75 = vector.load %arg5[%swap3A, %swap3A_74] : memref<10000x64xf32, #tpu.memory_space<vmem>>, vector<10000x64xf32>
    tpu.vector_store %arg5[%swap3A, %swap3A_74], %add3A_73 {strides = array<i32>} : memref<10000x64xf32, #tpu.memory_space<vmem>>, vector<10000x64xf32>,
    return
  }
}

</mosaic_0001>

<sc_bundles>
// kernel: kernel.10.cloned.1.call-start
scs
__scs_entry_jumppad:
0x0: {  	(pc) =	sbr.rel $0x88, $3  }
0x1: {  	(tag) =	ssettag $0x0;
	lr =	simm.s32 $0x1  }
0x2: {  	[smem:$0x3F9A] =	sst lr;
	_ =	strace $0xD0000000  }
0x3: {  	_ = 	snop  }
0x4: {  	_ = 	snop  }
0x5: {  	_ = 	snop  }
0x6: {  	_ = 	snop  }
0x7: {  	_ = 	snop  }
__scs_overlays_trampoline_lowered:
0x8: {  	[smem:$0x3FA9] =	sst s0  }
0x9: {  	[smem:$0x3FAA] =	sst s1  }
0xa: {  	[smem:$0x3FAB] =	sst s2  }
0xb: {  	[smem:$0x3FAC] =	sst s3  }
0xc: {  	[smem:$0x3FAD] =	sst s4  }
0xd: {  	[smem:$0x3FAE] =	sst s5  }
0xe: {  	[smem:$0x3FAF] =	sst s6  }
0xf: {  	[smem:$0x3FB0] =	sst s7  }
0x10: {  	[smem:$0x3FB1] =	sst s8  }
0x11: {  	[smem:$0x3FB2] =	sst s9;
	s0 =	simm.s32 @!p0 $0x0  }
0x12: {  	s1 =	sld [smem:$0x3F98];
	s0 =	simm.s32 @p0 $0x1  }
0x13: {  	[smem:$0x3FB3] =	sst s0;
	s0 =	simm.s32 @!p1 $0x0  }
0x14: {  	s2 =	sld [smem:$0x3F97];
	s0 =	simm.s32 @p1 $0x1  }
0x15: {  	[smem:$0x3FB4] =	sst s0;
	s0 =	simm.s32 @!p2 $0x0  }
0x16: {  	s3 =	sld [smem:$0x3FDB];
	s0 =	simm.s32 @p2 $0x1  }
0x17: {  	s4 =	simm.s32 $0x1BF5;
	[smem:$0x3FB6] =	sst s0  }
0x18: {  	s0 =	sld [smem:$0x3F99];
	_ =	swait.ge [sflag:s4], $0x0  }
0x19: {  	s7 =	sld [smem:$0x3F9A]  }
0x1a: {  	s8 =	sadd.s32 $0xFFFFE003, lr  }
0x1b: {  	s9 =	sadd.s32 $0xFFFFFEF7, lr;
	s5 =	simm.s32 $0xFFFFFFFF;
	p2 =	slt.u32 s8, $0xFFFFF086  }
0x1c: {  	p1 =	slt.u32 s9, $0xF7A;
	s5 =	simm.s32 @!p2 $0x0  }
0x1d: {  	s5 =	simm.s32 @p1 $0x1;
	p0 =	seq.s32 s7, s2  }
0x1e: {  	s7 =	smul.u32 @!p0 $0xF7A, s2;
	p2 =	seq.s32 @!p0 s5, $0x0  }
0x1f: {  	s9 =	smul.u32 $0xF7A, s1;
	s8 =	simm.s32 @!p0 $0x1BF5;
	p2 =	por !p2, p0  }
0x20: {  	[sflag:s8] =	ssyncset.s32 @!p0 $0xFFFFF086;
	s6 =	sadd.s32 @!p0 s3, s7;
	s7 =	simm.s32 @!p0 $0x108  }
0x21: {  	s3 =	sadd.s32 s3, s9;
	s6 =	sadd.s32 @!p0 $0x88, s6;
	s7 =	simm.s32 @p2 $0x1082  }
0x22: {  	[simem:s7], [sflag:s8] =	dma.local @!p0 [hbm:s6], $0xF7A  }
0x23: {  	s9 =	sor.u32 $0xD0000000, s2;
	s6 =	simm.s32 $0x108;
	_ =	swait.ge @!p0 [sflag:s8], $0x0  }
0x24: {  	s3 =	sadd.s32 $0x88, s3;
	s6 =	simm.s32 @!p1 $0x1082;
	[sflag:s4] =	ssyncset.s32 $0xFFFFF086  }
0x25: {  	[simem:s6], [sflag:s4] =	dma.local [hbm:s3], $0xF7A  }
0x26: {  	[smem:$0x3F9A] =	sst s1;
	(tag) =	ssettag s2;
	_ =	strace s9  }
0x27: {  	s1 =	sld [smem:$0x3FAA]  }
0x28: {  	s2 =	sld [smem:$0x3FAB]  }
0x29: {  	s4 =	sld [smem:$0x3FAD]  }
0x2a: {  	p0 =	seq.s32 s5, $0x0;
	s5 =	sld [smem:$0x3FAE]  }
0x2b: {  	s6 =	sld [smem:$0x3FAF]  }
0x2c: {  	s7 =	sld [smem:$0x3FB0]  }
0x2d: {  	s3 =	simm.s32 $0x108;
	s8 =	sld [smem:$0x3FB1]  }
0x2e: {  	s3 =	simm.s32 @!p0 $0x1082;
	s9 =	sld [smem:$0x3FB2]  }
0x2f: {  	lr =	sadd.s32 s0, s3;
	s0 =	sld [smem:$0x3FA9]  }
0x30: {  	s3 =	sld [smem:$0x3FAC]  }
0x31: {  	[smem:$0x3FB5] =	sst s10  }
0x32: {  	s10 =	sld [smem:$0x3FB3];
	_ =	sdelay $0x3  }
0x33: {  	p0 =	seq.s32 s10, $0x1;
	s10 =	sld [smem:$0x3FB5];
	_ =	sdelay $0x3  }
0x34: {  	[smem:$0x3FB5] =	sst s10  }
0x35: {  	s10 =	sld [smem:$0x3FB4];
	_ =	sdelay $0x3  }
0x36: {  	p1 =	seq.s32 s10, $0x1;
	s10 =	sld [smem:$0x3FB5];
	_ =	sdelay $0x3  }
0x37: {  	[smem:$0x3FB5] =	sst s10  }
0x38: {  	s10 =	sld [smem:$0x3FB6]  }
0x39: {  	_ = 	snop;
	(pc) =	sbr.ind lr, $3  }
0x3a: {  	_ = 	snop  }
0x3b: {  	_ = 	snop  }
0x3c: {  	p2 =	seq.s32 s10, $0x1;
	s10 =	sld [smem:$0x3FB5]  }
0x3d: {  	_ =	shalt  }
0x3e: {  	_ =	shalt  }
0x3f: {  	_ =	shalt  }
0x40: {  	_ =	shalt  }
0x41: {  	_ =	shalt  }
0x42: {  	_ =	shalt  }
0x43: {  	_ =	shalt  }
0x44: {  	_ =	shalt  }
0x45: {  	_ =	shalt  }
0x46: {  	_ =	shalt  }
0x47: {  	_ =	shalt  }
0x48: {  	_ =	shalt  }
0x49: {  	_ =	shalt  }
0x4a: {  	_ =	shalt  }
0x4b: {  	_ =	shalt  }
0x4c: {  	_ =	shalt  }
0x4d: {  	_ =	shalt  }
0x4e: {  	_ =	shalt  }
0x4f: {  	_ =	shalt  }
0x50: {  	_ =	shalt  }
0x51: {  	_ =	shalt  }
0x52: {  	_ =	shalt  }
0x53: {  	_ =	shalt  }
0x54: {  	_ =	shalt  }
0x55: {  	_ =	shalt  }
0x56: {  	_ =	shalt  }
0x57: {  	_ =	shalt  }
0x58: {  	_ =	shalt  }
0x59: {  	_ =	shalt  }
0x5a: {  	_ =	shalt  }
0x5b: {  	_ =	shalt  }
0x5c: {  	_ =	shalt  }
0x5d: {  	_ =	shalt  }
0x5e: {  	_ =	shalt  }
0x5f: {  	_ =	shalt  }
0x60: {  	_ =	shalt  }
0x61: {  	_ =	shalt  }
0x62: {  	_ =	shalt  }
0x63: {  	_ =	shalt  }
0x64: {  	_ =	shalt  }
0x65: {  	_ =	shalt  }
0x66: {  	_ =	shalt  }
0x67: {  	_ =	shalt  }
0x68: {  	_ =	shalt  }
0x69: {  	_ =	shalt  }
0x6a: {  	_ =	shalt  }
0x6b: {  	_ =	shalt  }
0x6c: {  	_ =	shalt  }
0x6d: {  	_ =	shalt  }
0x6e: {  	_ =	shalt  }
0x6f: {  	_ =	shalt  }
0x70: {  	_ =	shalt  }
0x71: {  	_ =	shalt  }
0x72: {  	_ =	shalt  }
0x73: {  	_ =	shalt  }
0x74: {  	_ =	shalt  }
0x75: {  	_ =	shalt  }
0x76: {  	_ =	shalt  }
0x77: {  	_ =	shalt  }
0x78: {  	_ =	shalt  }
0x79: {  	_ =	shalt  }
0x7a: {  	_ =	shalt  }
0x7b: {  	_ =	shalt  }
0x7c: {  	_ =	shalt  }
0x7d: {  	_ =	shalt  }
0x7e: {  	_ =	shalt  }
0x7f: {  	_ =	shalt  }
0x80: {  	_ =	shalt  }
0x81: {  	_ =	shalt  }
0x82: {  	_ =	shalt  }
0x83: {  	_ =	shalt  }
0x84: {  	_ =	shalt  }
0x85: {  	_ =	shalt  }
0x86: {  	_ =	shalt  }
0x87: {  	_ =	shalt  }
.Lfunc_end0:
.L_simem_size_0:
called_computation.1_lowered:
.L_overlay_start_0:
0x88: {  	s2 =	sld [smem:$0x3FD9]  }
0x89: {  	s3 =	sld [smem:$0x3FFE];
	_ =	sdelay $0x1  }
0x8a: {  	s1 =	srdreg.scid  }
0x8b: {  	s0 =	sand.u32 $0x1, s1  }
0x8c: {  	s17 =	sshll.u32 s0, $0xA;
	s2 =	sadd.s32 s3, s2  }
0x8d: {  	s2 =	sadd.s32 s2, s17  }
0x8e: {  	[smem:$0x3FC1] =	sst s2  }
0x8f: {  	_ = 	snop  }
0x90: {  	s2 =	sld [smem:$0x3FD0];
	(tm) =	ssettm $0x1  }
0x91: {  	s18 =	sld [smem:$0x3FFB];
	_ =	sdelay $0x3  }
0x92: {  	_ =	strace s18  }
0x93: {  	s3 =	sld [smem:$0x3FFC];
	_ =	sdelay $0x3  }
0x94: {  	_ =	strace s3  }
0x95: {  	s3 =	sld [smem:$0x3FFD];
	_ =	sdelay $0x3  }
0x96: {  	_ =	strace s3  }
0x97: {  	_ =	strace $0x8FFFFFFF  }
0x98: {  	s19 =	sld [smem:$0x3FDB];
	_ =	sdelay $0x1  }
0x99: {  	s4 =	simm.s32 $_scs_section_size  }
0x9a: {  	s5 =	simm.s32 $_size__tile_overlayer_lowered;
	s6 =	simm.s32 $_tile_overlayer_lowered  }
0x9b: {  	s22 =	simm.s32 $0x1BFF;
	s21 =	sshll.u32 s6, $0x1;
	s3 =	sadd.s32 s4, s19  }
0x9c: {  	s7 =	simm.s32 $0x0;
	s20 =	sshll.u32 s5, $0x1;
	s5 =	sadd.s32 s21, s3  }
0x9d: {  	[timem:s7], [sflag:s22] =	dma.local [hbm:s5], s20  }
0x9e: {  	_ =	swait.ge [sflag:s22], s20  }
0x9f: {  	s4 =	ssub.s32 $0x0, s20;
	[sflag:s22] =	ssyncset.done $0x0  }
0xa0: {  	[sflag:s22] =	ssyncadd.s32 s4;
	_ =	sdelay $0x1  }
0xa1: {  	s23 =	simm.s32 $0x1B8B  }
0xa2: {  	_ =	swait.ge [sflag:s23], $0x1  }
0xa3: {  	[sflag:s23] =	ssyncset.done $0x0  }
0xa4: {  	s25 =	simm.s32 $0x1B8E;
	s24 =	sld [smem:$0x3FFE];
	[sflag:s23] =	ssyncadd.s32 $0xFFFFFFFF  }
0xa5: {  	s26 =	simm.s32 $execute0_lowered;
	[smem:$0x3FD2] =	sst s25  }
0xa6: {  	s5 =	sshll.u32 s26, $0x1;
	_ =	strace $0x80000049;
	[dreg:$0x1] =	wrdreg $0xFFFFFFFF  }
0xa7: {  	s28 =	simm.s32 $_size_execute0_lowered;
	s3 =	sadd.s32 s3, s5;
	[dreg:$0x0] =	wrdreg $0x0  }
0xa8: {  	s5 =	sshll.u32 s28, $0x1;
	[dreg:$0x2] =	wrdreg s3  }
0xa9: {  	[dreg:$0x3] =	wrdreg s5  }
0xaa: {  	[dreg:$0x4] =	wrdreg $0xC0  }
0xab: {  	_ =	task [dreg:s7], $0x5FFFF  }
0xac: {  	[dreg:$0x1] =	wrdreg $0xFFFFFFFF  }
0xad: {  	[dreg:$0x0] =	wrdreg $0x60  }
0xae: {  	[dreg:$0x2] =	wrdreg s24  }
0xaf: {  	[dreg:$0x3] =	wrdreg s2  }
0xb0: {  	[dreg:$0x4] =	wrdreg $0x0  }
0xb1: {  	[dreg:$0x5] =	wrdreg $0x9  }
0xb2: {  	_ =	task.clear_ibuf [dreg:s7], $0x6FFFF;
	_ =	strace $0x90000049  }
0xb3: {  	s29 =	simm.s32 $0x9;
	_ =	strace $0x8000004B  }
0xb4: {  	_ =	swait.ge [sflag:s29], $0x1  }
0xb5: {  	[sflag:s29] =	ssyncadd.s32 $0xFFFFFFFF  }
0xb6: {  	_ =	strace $0x9000004B  }
0xb7: {  	_ =	sfence  }
0xb8: {  	s30 =	sld [smem:$0x0];
	_ =	sdelay $0x2  }
0xb9: {  	s31 =	sshll.u32 s1, $0xD;
	s1 =	sshrl.u32 s1, $0x2  }
0xba: {  	s3 =	sand.u32 $0x4000, s31;
	s1 =	sadd.s32 s1, s30  }
0xbb: {  	s0 =	sor.u32 s3, s0;
	s1 =	sshll.u32 s1, $0x11  }
0xbc: {  	s0 =	sor.u32 s1, s0  }
0xbd: {  	s0 =	sadd.s32 $0x8F2B, s0  }
0xbe: {  	[sflag:s0] =	ssyncadd.remote.s32 $0x1  }
0xbf: {  	_ =	sfence.sel $0xFFFF  }
0xc0: {  	[dreg:$0x0] =	wrdreg $0xFFFFFFFF;
	(pc) =	sbr.abs _section_cstart, $3  }
0xc1: {  	[dreg:$0x1] =	wrdreg $0xFFFFFFFF  }
0xc2: {  	_ =	task.clear_ibuf [dreg:s7], $0x2FFFF;
	_ =	strace $0x9FFFFFFF  }
0xc3: {  	(tm) =	ssettm $0x7FFFFFFF  }
tec
execute0_lowered:
.L_overlay_start_1:
0x0: {  	(tag) =	ssettag $0x1  }
0x1: {  	s5 =	rddreg [dreg:$0x0]  }
0x2: {  	s2 =	rddreg [dreg:$0x1]  }
0x3: {  	s0 =	srdreg.scid;
	s3 =	rddreg [dreg:$0x2]  }
0x4: {  	s4 =	simm.s32 $0x0;
	s21 =	simm.s32 $0xC780;
	s22 =	simm.s32 $0x80  }
0x5: {  	s7 =	sand.u32 $0x1, s0;
	s0 =	stileid.u32;
	[smem:$0x7FF] =	sst s4  }
0x6: {  	s16 =	sadd.s32 $0x64E00, s5;
	s1 =	sshll.u32 s7, $0x4;
	s10 =	smul.u32 $0xA000, s0  }
0x7: {  	s30 =	ssub.s32 $0x2, s7;
	s18 =	smul.u32 $0xA0000, s7;
	s6 =	sor.u32 s0, s1  }
0x8: {  	s1 =	rddreg [dreg:$0x3];
	_ =	strace $0x8000004A;
	s31 =	sshrl.u32 s30, $0x1  }
0x9: {  	s6 =	smul.u32 $0x4F0, s6;
	s12 =	sadd.s32 $0x2000, s10;
	s17 =	ssub.s32 s30, s31  }
0xa: {  	s14 =	sadd.s32 $0x4000, s10;
	s15 =	sadd.s32 $0x6000, s10;
	s19 =	sadd.s32 $0x8000, s10  }
0xb: {  	s13 =	sadd.s32 s10, s18;
	s7 =	sadd.s32 s14, s3;
	s8 =	sadd.s32 s15, s3  }
0xc: {  	s9 =	sadd.s32 s19, s3;
	s13 =	sshrl.u32 s13, $0x3;
	s14 =	sadd.s32 s18, s14  }
0xd: {  	s15 =	sadd.s32 s18, s15;
	s17 =	smax.u32 s17, $0x1;
	s11 =	sadd.s32 s6, s5  }
0xe: {  	s5 =	sadd.s32 s10, s3;
	s6 =	sadd.s32 s12, s3;
	s12 =	sadd.s32 s18, s12  }
0xf: {  	s18 =	sadd.s32 s18, s19;
	s14 =	sshrl.u32 s14, $0x3;
	s15 =	sshrl.u32 s15, $0x3  }
0x10: {  	s19 =	simm.s32 $0x1;
	s10 =	sadd.s32 $0xB000, s11;
	s20 =	sshrl.u32 s12, $0x3  }
0x11: {  	s11 =	sadd.s32 $0x1200, s11;
	s12 =	sadd.s32 s16, s13;
	s18 =	sshrl.u32 s18, $0x3  }
0x12: {  	s14 =	sadd.s32 s16, s14;
	s15 =	sadd.s32 s16, s15;
	s13 =	sadd.s32 s16, s20  }
0x13: {  	v0 =	vimm.f32 $0.0e+00;
	s16 =	sadd.s32 s16, s18;
	s18 =	simm.s32 $0xEF00;
	s20 =	simm.s32 $0xA000  }
.LBB2_1:
0x14: {  	s24 =	simm.s32 $0x100;
	s23 =	simm.s32 $0x0  }
.LBB2_2:
0x15: {  	p0 =	sne.s32 s24, $0x7F00;
	[tilespmem:s23+$0xEF30] =	vst v0;
	s25 =	smov.u32 s24;
	s24 =	sadd.s32 $0x100, s24  }
.Ltmp0:
0x16: {  	[tilespmem:s23+$0xEF20] =	vst v0;
	(pc) =	sbr.rel @p0 .LBB2_2-.Ltmp0, $3  }
0x17: {  	[tilespmem:s23+$0xEF00] =	vst v0  }
0x18: {  	[tilespmem:s23+$0xEF10] =	vst v0;
	_ =	sdelay $0x1  }
0x19: {  	s23 =	sshra.s32 s25, $0x2  }
0x1a: {  	[tilespmem:s23+$0xEF30] =	vst v0  }
0x1b: {  	[tilespmem:s23+$0xEF20] =	vst v0  }
0x1c: {  	[tilespmem:s23+$0xEF00] =	vst v0  }
0x1d: {  	[tilespmem:s23+$0xEF10] =	vst v0  }
0x1e: {  	[spmem:s5] =	stream.linear.scatter [tilespmem:s18], [sflag:$0x1], $0x2000, $0x38;
	[tilespmem:$0x10F00] =	vst v63  }
0x1f: {  	_ =	swait.ge [sflag:s19], $0x2000  }
0x20: {  	[sflag:s19] =	ssyncset.done $0x0  }
0x21: {  	[sflag:s19] =	ssyncadd.s32 $0xFFFFE000  }
0x22: {  	[spmem:s6] =	stream.linear.scatter [tilespmem:s18], [sflag:$0x1], $0x2000, $0x38;
	[tilespmem:$0x10F00] =	vst v63  }
0x23: {  	_ =	swait.ge [sflag:s19], $0x2000  }
0x24: {  	[sflag:s19] =	ssyncset.done $0x0  }
0x25: {  	[sflag:s19] =	ssyncadd.s32 $0xFFFFE000  }
0x26: {  	[spmem:s7] =	stream.linear.scatter [tilespmem:s18], [sflag:$0x1], $0x2000, $0x38;
	[tilespmem:$0x10F00] =	vst v63  }
0x27: {  	_ =	swait.ge [sflag:s19], $0x2000  }
0x28: {  	[sflag:s19] =	ssyncset.done $0x0  }
0x29: {  	[sflag:s19] =	ssyncadd.s32 $0xFFFFE000  }
0x2a: {  	[spmem:s8] =	stream.linear.scatter [tilespmem:s18], [sflag:$0x1], $0x2000, $0x38;
	[tilespmem:$0x10F00] =	vst v63  }
0x2b: {  	_ =	swait.ge [sflag:s19], $0x2000  }
0x2c: {  	[sflag:s19] =	ssyncset.done $0x0  }
0x2d: {  	[sflag:s19] =	ssyncadd.s32 $0xFFFFE000  }
0x2e: {  	[spmem:s9] =	stream.linear.scatter [tilespmem:s18], [sflag:$0x1], $0x2000, $0x38;
	[tilespmem:$0x10F00] =	vst v63  }
0x2f: {  	_ =	swait.ge [sflag:s19], $0x2000  }
0x30: {  	[sflag:s19] =	ssyncset.done $0x0  }
0x31: {  	[sflag:s19] =	ssyncadd.s32 $0xFFFFE000  }
0x32: {  	s29 =	simm.s32 $0x0;
	[bflag:$0x0] =	sbarrier.arrive $0xFFFF  }
0x33: {  	[tilespmem:s20], [sflag:$0x1] =	stream.linear.gather [hbm4b:s10+s29], $0x2780, $0x38;
	[tilespmem:$0x10F00] =	vst v63  }
0x34: {  	_ =	swait.ge [sflag:s19], $0x2780  }
0x35: {  	[sflag:s19] =	ssyncset.done $0x0  }
0x36: {  	[sflag:s19] =	ssyncadd.s32 $0xFFFFD880  }
0x37: {  	[tilespmem:s21], [sflag:$0x1] =	stream.linear.gather [hbm4b:s11+s29], $0x2780, $0x38;
	[tilespmem:$0x10F00] =	vst v63  }
0x38: {  	_ =	swait.ge [sflag:s19], $0x2780  }
0x39: {  	[sflag:s19] =	ssyncset.done $0x0  }
0x3a: {  	s30 =	simm.s32 $0xA000;
	[sflag:s19] =	ssyncadd.s32 $0xFFFFD880  }
0x3b: {  	[tilespmem:s18], [sflag:$0x1] =	stream.indirect.gather [hbm4b:s2+s22], $0x40, s30, s22, $0xb8;
	[tilespmem:$0x10F00] =	vst v63  }
0x3c: {  	_ =	swait.ge [sflag:s19], $0x2000  }
0x3d: {  	[sflag:s19] =	ssyncset.done $0x0  }
0x3e: {  	s31 =	simm.s32 $0xC780;
	[sflag:s19] =	ssyncadd.s32 $0xFFFFE000  }
0x3f: {  	[spmem:s3] =	stream.indirect.scatter.add.f32 [tilespmem:s18], [sflag:$0x1], $0x40, s31, s22, $0xb8;
	[tilespmem:$0x10F00] =	vst v63  }
0x40: {  	_ =	swait.ge [sflag:s19], $0x2000  }
0x41: {  	s24 =	simm.s32 $0x400;
	s23 =	simm.s32 $0x80;
	[sflag:s19] =	ssyncset.done $0x0  }
.LBB2_4:
0x42: {  	s25 =	sadd.s32 $0xA000, s23  }
0x43: {  	[sflag:s19] =	ssyncadd.s32 $0xFFFFE000;
	s26 =	smov.u32 s24;
	s28 =	sadd.s32 $0x200, s24  }
0x44: {  	[tilespmem:s18], [sflag:$0x1] =	stream.indirect.gather [hbm4b:s2+s22], $0x40, s25, s22, $0xb8;
	[tilespmem:$0x10F00] =	vst v63  }
0x45: {  	p0 =	sne.s32 s24, $0x9C00;
	_ =	swait.ge [sflag:s19], $0x2000  }
.Ltmp1:
0x46: {  	[sflag:s19] =	ssyncset.done $0x0;
	(pc) =	sbr.rel @p0 .LBB2_4-.Ltmp1, $4  }
0x47: {  	s23 =	sadd.s32 $0xC780, s23;
	[sflag:s19] =	ssyncadd.s32 $0xFFFFE000  }
0x48: {  	[spmem:s3] =	stream.indirect.scatter.add.f32 [tilespmem:s18], [sflag:$0x1], $0x40, s23, s22, $0xb8;
	[tilespmem:$0x10F00] =	vst v63  }
0x49: {  	_ =	swait.ge [sflag:s19], $0x2000  }
0x4a: {  	s24 =	smov.u32 s28;
	s23 =	sshra.s32 s26, $0x2;
	[sflag:s19] =	ssyncset.done $0x0  }
0x4b: {  	s24 =	sadd.s32 $0xA000, s23;
	[sflag:s19] =	ssyncadd.s32 $0xFFFFE000  }
0x4c: {  	[tilespmem:s18], [sflag:$0x1] =	stream.indirect.gather [hbm4b:s2+s22], $0x40, s24, s22, $0xb8;
	[tilespmem:$0x10F00] =	vst v63  }
0x4d: {  	_ =	swait.ge [sflag:s19], $0x2000  }
0x4e: {  	[sflag:s19] =	ssyncset.done $0x0  }
0x4f: {  	s24 =	sadd.s32 $0xC780, s23;
	[sflag:s19] =	ssyncadd.s32 $0xFFFFE000  }
0x50: {  	[spmem:s3] =	stream.indirect.scatter.add.f32 [tilespmem:s18], [sflag:$0x1], $0x40, s24, s22, $0xb8;
	[tilespmem:$0x10F00] =	vst v63  }
0x51: {  	_ =	swait.ge [sflag:s19], $0x2000  }
0x52: {  	[sflag:s19] =	ssyncset.done $0x0  }
0x53: {  	s25 =	sshll.u32 s0, $0x6;
	[sflag:s19] =	ssyncadd.s32 $0xFFFFE000  }
0x54: {  	s26 =	sshrl.u32 s5, $0x3;
	s23 =	sor.u32 $0x1C01, s25;
	[bflag:$0x0] =	sbarrier.arrive $0xFFFF  }
0x55: {  	[hbm:s12], [sflag:s23] =	dma.local [spmem:s26], $0x400  }
0x56: {  	_ =	swait.ge [sflag:s19], $0x400  }
0x57: {  	[sflag:s19] =	ssyncset.done $0x0  }
0x58: {  	s28 =	sshrl.u32 s6, $0x3;
	[sflag:s19] =	ssyncadd.s32 $0xFFFFFC00  }
0x59: {  	[hbm:s13], [sflag:s23] =	dma.local [spmem:s28], $0x400  }
0x5a: {  	_ =	swait.ge [sflag:s19], $0x400  }
0x5b: {  	[sflag:s19] =	ssyncset.done $0x0  }
0x5c: {  	s29 =	sshrl.u32 s7, $0x3;
	[sflag:s19] =	ssyncadd.s32 $0xFFFFFC00  }
0x5d: {  	[hbm:s14], [sflag:s23] =	dma.local [spmem:s29], $0x400  }
0x5e: {  	_ =	swait.ge [sflag:s19], $0x400  }
0x5f: {  	[sflag:s19] =	ssyncset.done $0x0  }
0x60: {  	s30 =	sshrl.u32 s8, $0x3;
	[sflag:s19] =	ssyncadd.s32 $0xFFFFFC00  }
0x61: {  	[hbm:s15], [sflag:s23] =	dma.local [spmem:s30], $0x400  }
0x62: {  	s4 =	sadd.s32 $0x1, s4;
	_ =	swait.ge [sflag:s19], $0x400  }
0x63: {  	p0 =	sne.s32 s4, s17;
	[sflag:s19] =	ssyncset.done $0x0  }
.Ltmp2:
0x64: {  	s31 =	sshrl.u32 s9, $0x3;
	[sflag:s19] =	ssyncadd.s32 $0xFFFFFC00;
	(pc) =	sbr.rel @p0 .LBB2_1-.Ltmp2, $4  }
0x65: {  	[hbm:s16], [sflag:s23] =	dma.local [spmem:s31], $0x400  }
0x66: {  	_ =	swait.ge [sflag:s19], $0x400  }
0x67: {  	[sflag:s19] =	ssyncset.done $0x0  }
0x68: {  	[sflag:s19] =	ssyncadd.s32 $0xFFFFFC00  }
0x69: {  	_ =	sfence.sel $0x180000  }
0x6a: {  	[bflag:$0x0] =	sbarrier.arrive $0xFFFF  }
0x6b: {  	p0 =	sne.s32 s0, $0x0;
	_ =	strace $0x9000004A  }
0x6c: {  	s0 =	sadd.s32 @!p0 $0x100000, s1;
	[bflag:$0x2] =	sbarrier.arrive $0xFFFF  }
0x6d: {  	[sflag:s0] =	ssyncadd.tile.s32 @!p0 $0x1;
	_ =	shalt  }
.Lfunc_end2:
_tile_overlayer_lowered:
.L_overlay_start_2:
0x6e: {  	(tag) =	ssettag $0x2  }
0x6f: {  	s0 =	rddreg [dreg:$0x0];
	s2 =	stileid.u32  }
0x70: {  	s1 =	rddreg [dreg:$0x1];
	p0 =	sne.s32 s2, $0x0  }
0x71: {  	s3 =	rddreg [dreg:$0x2];
	[bflag:$0x3] =	sbarrier.arrive $0xFFFF;
	s2 =	simm.s32 @!p0 $0x1C01  }
0x72: {  	[timem:s3], [sflag:s2] =	dma.local @!p0 [hbm:s0], s1  }
0x73: {  	s0 =	simm.s32 @!p0 $0x1  }
0x74: {  	_ =	swait.ge @!p0 [sflag:s0], s1  }
0x75: {  	s1 =	ssub.s32 @!p0 $0x0, s1;
	[sflag:s0] =	ssyncset.done @!p0 $0x0  }
0x76: {  	[sflag:s0] =	ssyncadd.s32 @!p0 s1  }
0x77: {  	[bflag:$0x3] =	sbarrier.arrive $0xFFFF  }
0x78: {  	_ =	shalt  }

// kernel: kernel.7.cloned.1.call-start
scs
__scs_entry_jumppad:
0x0: {  	(pc) =	sbr.rel $0x88, $3  }
0x1: {  	(tag) =	ssettag $0x0;
	lr =	simm.s32 $0x1  }
0x2: {  	[smem:$0x3F9A] =	sst lr;
	_ =	strace $0xD0000000  }
0x3: {  	_ = 	snop  }
0x4: {  	_ = 	snop  }
0x5: {  	_ = 	snop  }
0x6: {  	_ = 	snop  }
0x7: {  	_ = 	snop  }
__scs_overlays_trampoline_lowered:
0x8: {  	[smem:$0x3FA9] =	sst s0  }
0x9: {  	[smem:$0x3FAA] =	sst s1  }
0xa: {  	[smem:$0x3FAB] =	sst s2  }
0xb: {  	[smem:$0x3FAC] =	sst s3  }
0xc: {  	[smem:$0x3FAD] =	sst s4  }
0xd: {  	[smem:$0x3FAE] =	sst s5  }
0xe: {  	[smem:$0x3FAF] =	sst s6  }
0xf: {  	[smem:$0x3FB0] =	sst s7  }
0x10: {  	[smem:$0x3FB1] =	sst s8  }
0x11: {  	[smem:$0x3FB2] =	sst s9;
	s0 =	simm.s32 @!p0 $0x0  }
0x12: {  	s1 =	sld [smem:$0x3F98];
	s0 =	simm.s32 @p0 $0x1  }
0x13: {  	[smem:$0x3FB3] =	sst s0;
	s0 =	simm.s32 @!p1 $0x0  }
0x14: {  	s2 =	sld [smem:$0x3F97];
	s0 =	simm.s32 @p1 $0x1  }
0x15: {  	[smem:$0x3FB4] =	sst s0;
	s0 =	simm.s32 @!p2 $0x0  }
0x16: {  	s3 =	sld [smem:$0x3FDB];
	s0 =	simm.s32 @p2 $0x1  }
0x17: {  	s4 =	simm.s32 $0x1BF5;
	[smem:$0x3FB6] =	sst s0  }
0x18: {  	s0 =	sld [smem:$0x3F99];
	_ =	swait.ge [sflag:s4], $0x0  }
0x19: {  	s7 =	sld [smem:$0x3F9A]  }
0x1a: {  	s8 =	sadd.s32 $0xFFFFE003, lr  }
0x1b: {  	s9 =	sadd.s32 $0xFFFFFEF7, lr;
	s5 =	simm.s32 $0xFFFFFFFF;
	p2 =	slt.u32 s8, $0xFFFFF086  }
0x1c: {  	p1 =	slt.u32 s9, $0xF7A;
	s5 =	simm.s32 @!p2 $0x0  }
0x1d: {  	s5 =	simm.s32 @p1 $0x1;
	p0 =	seq.s32 s7, s2  }
0x1e: {  	s7 =	smul.u32 @!p0 $0xF7A, s2;
	p2 =	seq.s32 @!p0 s5, $0x0  }
0x1f: {  	s9 =	smul.u32 $0xF7A, s1;
	s8 =	simm.s32 @!p0 $0x1BF5;
	p2 =	por !p2, p0  }
0x20: {  	[sflag:s8] =	ssyncset.s32 @!p0 $0xFFFFF086;
	s6 =	sadd.s32 @!p0 s3, s7;
	s7 =	simm.s32 @!p0 $0x108  }
0x21: {  	s3 =	sadd.s32 s3, s9;
	s6 =	sadd.s32 @!p0 $0x88, s6;
	s7 =	simm.s32 @p2 $0x1082  }
0x22: {  	[simem:s7], [sflag:s8] =	dma.local @!p0 [hbm:s6], $0xF7A  }
0x23: {  	s9 =	sor.u32 $0xD0000000, s2;
	s6 =	simm.s32 $0x108;
	_ =	swait.ge @!p0 [sflag:s8], $0x0  }
0x24: {  	s3 =	sadd.s32 $0x88, s3;
	s6 =	simm.s32 @!p1 $0x1082;
	[sflag:s4] =	ssyncset.s32 $0xFFFFF086  }
0x25: {  	[simem:s6], [sflag:s4] =	dma.local [hbm:s3], $0xF7A  }
0x26: {  	[smem:$0x3F9A] =	sst s1;
	(tag) =	ssettag s2;
	_ =	strace s9  }
0x27: {  	s1 =	sld [smem:$0x3FAA]  }
0x28: {  	s2 =	sld [smem:$0x3FAB]  }
0x29: {  	s4 =	sld [smem:$0x3FAD]  }
0x2a: {  	p0 =	seq.s32 s5, $0x0;
	s5 =	sld [smem:$0x3FAE]  }
0x2b: {  	s6 =	sld [smem:$0x3FAF]  }
0x2c: {  	s7 =	sld [smem:$0x3FB0]  }
0x2d: {  	s3 =	simm.s32 $0x108;
	s8 =	sld [smem:$0x3FB1]  }
0x2e: {  	s3 =	simm.s32 @!p0 $0x1082;
	s9 =	sld [smem:$0x3FB2]  }
0x2f: {  	lr =	sadd.s32 s0, s3;
	s0 =	sld [smem:$0x3FA9]  }
0x30: {  	s3 =	sld [smem:$0x3FAC]  }
0x31: {  	[smem:$0x3FB5] =	sst s10  }
0x32: {  	s10 =	sld [smem:$0x3FB3];
	_ =	sdelay $0x3  }
0x33: {  	p0 =	seq.s32 s10, $0x1;
	s10 =	sld [smem:$0x3FB5];
	_ =	sdelay $0x3  }
0x34: {  	[smem:$0x3FB5] =	sst s10  }
0x35: {  	s10 =	sld [smem:$0x3FB4];
	_ =	sdelay $0x3  }
0x36: {  	p1 =	seq.s32 s10, $0x1;
	s10 =	sld [smem:$0x3FB5];
	_ =	sdelay $0x3  }
0x37: {  	[smem:$0x3FB5] =	sst s10  }
0x38: {  	s10 =	sld [smem:$0x3FB6]  }
0x39: {  	_ = 	snop;
	(pc) =	sbr.ind lr, $3  }
0x3a: {  	_ = 	snop  }
0x3b: {  	_ = 	snop  }
0x3c: {  	p2 =	seq.s32 s10, $0x1;
	s10 =	sld [smem:$0x3FB5]  }
0x3d: {  	_ =	shalt  }
0x3e: {  	_ =	shalt  }
0x3f: {  	_ =	shalt  }
0x40: {  	_ =	shalt  }
0x41: {  	_ =	shalt  }
0x42: {  	_ =	shalt  }
0x43: {  	_ =	shalt  }
0x44: {  	_ =	shalt  }
0x45: {  	_ =	shalt  }
0x46: {  	_ =	shalt  }
0x47: {  	_ =	shalt  }
0x48: {  	_ =	shalt  }
0x49: {  	_ =	shalt  }
0x4a: {  	_ =	shalt  }
0x4b: {  	_ =	shalt  }
0x4c: {  	_ =	shalt  }
0x4d: {  	_ =	shalt  }
0x4e: {  	_ =	shalt  }
0x4f: {  	_ =	shalt  }
0x50: {  	_ =	shalt  }
0x51: {  	_ =	shalt  }
0x52: {  	_ =	shalt  }
0x53: {  	_ =	shalt  }
0x54: {  	_ =	shalt  }
0x55: {  	_ =	shalt  }
0x56: {  	_ =	shalt  }
0x57: {  	_ =	shalt  }
0x58: {  	_ =	shalt  }
0x59: {  	_ =	shalt  }
0x5a: {  	_ =	shalt  }
0x5b: {  	_ =	shalt  }
0x5c: {  	_ =	shalt  }
0x5d: {  	_ =	shalt  }
0x5e: {  	_ =	shalt  }
0x5f: {  	_ =	shalt  }
0x60: {  	_ =	shalt  }
0x61: {  	_ =	shalt  }
0x62: {  	_ =	shalt  }
0x63: {  	_ =	shalt  }
0x64: {  	_ =	shalt  }
0x65: {  	_ =	shalt  }
0x66: {  	_ =	shalt  }
0x67: {  	_ =	shalt  }
0x68: {  	_ =	shalt  }
0x69: {  	_ =	shalt  }
0x6a: {  	_ =	shalt  }
0x6b: {  	_ =	shalt  }
0x6c: {  	_ =	shalt  }
0x6d: {  	_ =	shalt  }
0x6e: {  	_ =	shalt  }
0x6f: {  	_ =	shalt  }
0x70: {  	_ =	shalt  }
0x71: {  	_ =	shalt  }
0x72: {  	_ =	shalt  }
0x73: {  	_ =	shalt  }
0x74: {  	_ =	shalt  }
0x75: {  	_ =	shalt  }
0x76: {  	_ =	shalt  }
0x77: {  	_ =	shalt  }
0x78: {  	_ =	shalt  }
0x79: {  	_ =	shalt  }
0x7a: {  	_ =	shalt  }
0x7b: {  	_ =	shalt  }
0x7c: {  	_ =	shalt  }
0x7d: {  	_ =	shalt  }
0x7e: {  	_ =	shalt  }
0x7f: {  	_ =	shalt  }
0x80: {  	_ =	shalt  }
0x81: {  	_ =	shalt  }
0x82: {  	_ =	shalt  }
0x83: {  	_ =	shalt  }
0x84: {  	_ =	shalt  }
0x85: {  	_ =	shalt  }
0x86: {  	_ =	shalt  }
0x87: {  	_ =	shalt  }
.Lfunc_end0:
.L_simem_size_0:
called_computation_lowered:
.L_overlay_start_0:
0x88: {  	s2 =	sld [smem:$0x3FD9]  }
0x89: {  	s3 =	sld [smem:$0x3FFE];
	_ =	sdelay $0x1  }
0x8a: {  	s1 =	srdreg.scid  }
0x8b: {  	s0 =	sand.u32 $0x1, s1  }
0x8c: {  	s17 =	sshll.u32 s0, $0xA;
	s2 =	sadd.s32 s3, s2  }
0x8d: {  	s2 =	sadd.s32 s2, s17  }
0x8e: {  	[smem:$0x3FC1] =	sst s2  }
0x8f: {  	_ = 	snop  }
0x90: {  	s2 =	sld [smem:$0x3FD0];
	(tm) =	ssettm $0x1  }
0x91: {  	s18 =	sld [smem:$0x3FFB];
	_ =	sdelay $0x3  }
0x92: {  	_ =	strace s18  }
0x93: {  	s3 =	sld [smem:$0x3FFC];
	_ =	sdelay $0x3  }
0x94: {  	_ =	strace s3  }
0x95: {  	s3 =	sld [smem:$0x3FFD];
	_ =	sdelay $0x3  }
0x96: {  	_ =	strace s3  }
0x97: {  	_ =	strace $0x8FFFFFFF  }
0x98: {  	s19 =	sld [smem:$0x3FDB];
	_ =	sdelay $0x1  }
0x99: {  	s4 =	simm.s32 $_scs_section_size  }
0x9a: {  	s5 =	simm.s32 $_size__tile_overlayer_lowered;
	s6 =	simm.s32 $_tile_overlayer_lowered  }
0x9b: {  	s22 =	simm.s32 $0x1BFF;
	s21 =	sshll.u32 s6, $0x1;
	s3 =	sadd.s32 s4, s19  }
0x9c: {  	s7 =	simm.s32 $0x0;
	s20 =	sshll.u32 s5, $0x1;
	s5 =	sadd.s32 s21, s3  }
0x9d: {  	[timem:s7], [sflag:s22] =	dma.local [hbm:s5], s20  }
0x9e: {  	_ =	swait.ge [sflag:s22], s20  }
0x9f: {  	s4 =	ssub.s32 $0x0, s20;
	[sflag:s22] =	ssyncset.done $0x0  }
0xa0: {  	[sflag:s22] =	ssyncadd.s32 s4;
	_ =	sdelay $0x1  }
0xa1: {  	s23 =	simm.s32 $0x1B8B  }
0xa2: {  	_ =	swait.ge [sflag:s23], $0x1  }
0xa3: {  	[sflag:s23] =	ssyncset.done $0x0  }
0xa4: {  	s25 =	simm.s32 $0x1B8E;
	s24 =	sld [smem:$0x3FFE];
	[sflag:s23] =	ssyncadd.s32 $0xFFFFFFFF  }
0xa5: {  	s26 =	simm.s32 $execute0_lowered;
	[smem:$0x3FD2] =	sst s25  }
0xa6: {  	s5 =	sshll.u32 s26, $0x1;
	_ =	strace $0x80000046;
	[dreg:$0x1] =	wrdreg $0xFFFFFFFF  }
0xa7: {  	s28 =	simm.s32 $_size_execute0_lowered;
	s3 =	sadd.s32 s3, s5;
	[dreg:$0x0] =	wrdreg $0x0  }
0xa8: {  	s5 =	sshll.u32 s28, $0x1;
	[dreg:$0x2] =	wrdreg s3  }
0xa9: {  	[dreg:$0x3] =	wrdreg s5  }
0xaa: {  	[dreg:$0x4] =	wrdreg $0xC0  }
0xab: {  	_ =	task [dreg:s7], $0x5FFFF  }
0xac: {  	[dreg:$0x1] =	wrdreg $0xFFFFFFFF  }
0xad: {  	[dreg:$0x0] =	wrdreg $0x60  }
0xae: {  	[dreg:$0x2] =	wrdreg s24  }
0xaf: {  	[dreg:$0x3] =	wrdreg s2  }
0xb0: {  	[dreg:$0x4] =	wrdreg $0x0  }
0xb1: {  	[dreg:$0x5] =	wrdreg $0xA0000  }
0xb2: {  	[dreg:$0x6] =	wrdreg $0x9  }
0xb3: {  	_ =	task.clear_ibuf [dreg:s7], $0x7FFFF;
	_ =	strace $0x90000046  }
0xb4: {  	s29 =	simm.s32 $0x9;
	_ =	strace $0x80000048  }
0xb5: {  	_ =	swait.ge [sflag:s29], $0x1  }
0xb6: {  	[sflag:s29] =	ssyncadd.s32 $0xFFFFFFFF  }
0xb7: {  	_ =	strace $0x90000048  }
0xb8: {  	_ =	sfence  }
0xb9: {  	s30 =	sld [smem:$0x0];
	_ =	sdelay $0x2  }
0xba: {  	s31 =	sshll.u32 s1, $0xD;
	s1 =	sshrl.u32 s1, $0x2  }
0xbb: {  	s3 =	sand.u32 $0x4000, s31;
	s1 =	sadd.s32 s1, s30  }
0xbc: {  	s0 =	sor.u32 s3, s0;
	s1 =	sshll.u32 s1, $0x11  }
0xbd: {  	s0 =	sor.u32 s1, s0  }
0xbe: {  	s0 =	sadd.s32 $0x8F2B, s0  }
0xbf: {  	[sflag:s0] =	ssyncadd.remote.s32 $0x1  }
0xc0: {  	_ =	sfence.sel $0xFFFF  }
0xc1: {  	[dreg:$0x0] =	wrdreg $0xFFFFFFFF;
	(pc) =	sbr.abs _section_cstart, $3  }
0xc2: {  	[dreg:$0x1] =	wrdreg $0xFFFFFFFF  }
0xc3: {  	_ =	task.clear_ibuf [dreg:s7], $0x2FFFF;
	_ =	strace $0x9FFFFFFF  }
0xc4: {  	(tm) =	ssettm $0x7FFFFFFF  }
0xc5: {  	_ =	shalt  }
tec
execute0_lowered:
.L_overlay_start_1:
0x0: {  	(tag) =	ssettag $0x1  }
0x1: {  	s0 =	srdreg.scid  }
0x2: {  	s10 =	stileid.u32;
	s4 =	rddreg [dreg:$0x0]  }
0x3: {  	s1 =	rddreg [dreg:$0x1];
	s2 =	simm.s32 $0x0;
	s30 =	simm.s32 $0x11700  }
0x4: {  	s31 =	simm.s32 $0x1;
	s3 =	sand.u32 $0x1, s0;
	s5 =	smul.u32 $0x280, s10  }
0x5: {  	[smem:$0x7FF] =	sst s2;
	s6 =	sadd.s32 $0x14E00, s4;
	s11 =	smul.u32 $0xA000, s10  }
0x6: {  	s17 =	smul.u32 $0x2800, s10;
	s0 =	sshll.u32 s3, $0x4;
	s7 =	ssub.s32 $0x2, s3  }
0x7: {  	s0 =	sor.u32 s10, s0;
	s8 =	sshrl.u32 s7, $0x1;
	s9 =	sadd.s32 $0x80, s5  }
0x8: {  	s14 =	sadd.s32 $0x100, s5;
	s15 =	sadd.s32 $0x180, s5;
	s5 =	sadd.s32 $0x200, s5  }
0x9: {  	s0 =	smul.u32 $0x4F0, s0;
	s29 =	ssub.s32 s7, s8;
	s18 =	sshll.u32 s9, $0x6  }
0xa: {  	s19 =	sshll.u32 s9, $0x4;
	s8 =	smul.u32 $0xA0000, s3;
	s20 =	sshll.u32 s14, $0x6  }
0xb: {  	s3 =	smul.u32 $0x28000, s3;
	s21 =	sshll.u32 s14, $0x4;
	s22 =	sshll.u32 s15, $0x6  }
0xc: {  	s23 =	sshll.u32 s15, $0x4;
	s24 =	sshll.u32 s5, $0x6;
	s5 =	sshll.u32 s5, $0x4  }
0xd: {  	s29 =	smax.u32 s29, $0x1;
	s0 =	sadd.s32 s0, s4;
	s4 =	sadd.s32 $0x3CE00, s4  }
0xe: {  	s16 =	sadd.s32 s11, s8;
	s25 =	sadd.s32 s17, s3;
	s10 =	sadd.s32 s3, s19  }
0xf: {  	s12 =	sadd.s32 s8, s20;
	s15 =	sadd.s32 s3, s21;
	s7 =	sshrl.u32 s16, $0x3  }
0x10: {  	s9 =	sshrl.u32 s25, $0x3;
	s16 =	sadd.s32 s8, s22;
	s7 =	sadd.s32 s6, s7  }
0x11: {  	s28 =	sadd.s32 $0x1200, s0;
	s26 =	sadd.s32 s4, s9;
	[dreg:$0x5] =	wrdreg s7  }
0x12: {  	s9 =	sadd.s32 s8, s18;
	s8 =	sadd.s32 s8, s24;
	[dreg:$0x6] =	wrdreg s26  }
0x13: {  	s7 =	sshrl.u32 s9, $0x3;
	s9 =	sshrl.u32 s10, $0x3;
	s10 =	sshrl.u32 s12, $0x3  }
0x14: {  	s12 =	sshrl.u32 s8, $0x3;
	s26 =	sadd.s32 s3, s23;
	s7 =	sadd.s32 s6, s7  }
0x15: {  	s3 =	sadd.s32 s3, s5;
	s13 =	sadd.s32 s4, s9;
	[dreg:$0x7] =	wrdreg s7  }
0x16: {  	s14 =	sadd.s32 s6, s10;
	s9 =	sshrl.u32 s15, $0x3;
	[dreg:$0x8] =	wrdreg s13  }
0x17: {  	s10 =	sshrl.u32 s16, $0x3;
	[dreg:$0x9] =	wrdreg s14;
	s25 =	sadd.s32 s4, s9  }
0x18: {  	s9 =	sadd.s32 s6, s10;
	s10 =	sadd.s32 s6, s12;
	s12 =	rddreg [dreg:$0x2]  }
0x19: {  	s3 =	sshrl.u32 s3, $0x3;
	s6 =	sshrl.u32 s26, $0x3;
	s13 =	rddreg [dreg:$0x3]  }
0x1a: {  	s15 =	sadd.s32 s4, s3;
	s26 =	sadd.s32 $0xB000, s0;
	s0 =	simm.s32 $0x80  }
0x1b: {  	s3 =	simm.s32 $0x13700;
	[dreg:$0xa] =	wrdreg s25;
	s14 =	sadd.s32 s4, s6  }
0x1c: {  	s16 =	sadd.s32 s11, s12;
	s17 =	sadd.s32 s17, s13;
	s18 =	sadd.s32 s18, s12  }
0x1d: {  	s19 =	sadd.s32 s19, s13;
	s20 =	sadd.s32 s20, s12;
	s21 =	sadd.s32 s21, s13  }
0x1e: {  	s22 =	sadd.s32 s22, s12;
	s23 =	sadd.s32 s23, s13;
	s24 =	sadd.s32 s24, s12  }
0x1f: {  	v0 =	vimm.f32 $0.0e+00;
	v1 =	vimm.f32 $1.000000000e+00;
	s25 =	sadd.s32 s5, s13;
	s11 =	simm.s32 $0x13F00;
	_ =	strace $0x80000047  }
.LBB2_1:
0x20: {  	s4 =	simm.s32 $0x11720  }
0x21: {  	[tilespmem:s4+$0xFFFFFFE0] =	vst v0  }
0x22: {  	[tilespmem:s4+$0x10] =	vst v0  }
0x23: {  	[tilespmem:s4+$0x0] =	vst v0  }
0x24: {  	s5 =	simm.s32 $0x40;
	s6 =	simm.s32 $0x0;
	[tilespmem:s4+$0xFFFFFFF0] =	vst v0  }
.LBB2_2:
0x25: {  	p0 =	sne.s32 s5, $0x1FC0  }
0x26: {  	[tilespmem:s6+$0x13700] =	vst v1;
	s4 =	sadd.s32 $0x40, s4;
	s7 =	smov.u32 s5;
	s5 =	sadd.s32 $0x40, s5  }
.Ltmp0:
0x27: {  	[tilespmem:s6+$0x13F00] =	vst v0;
	(pc) =	sbr.rel @p0 .LBB2_2-.Ltmp0, $4  }
0x28: {  	[tilespmem:s4+$0xFFFFFFE0] =	vst v0  }
0x29: {  	[tilespmem:s4+$0x10] =	vst v0  }
0x2a: {  	[tilespmem:s4+$0x0] =	vst v0  }
0x2b: {  	s6 =	sshra.s32 s7, $0x2;
	[tilespmem:s4+$0xFFFFFFF0] =	vst v0  }
0x2c: {  	[tilespmem:s6+$0x13700] =	vst v1  }
0x2d: {  	[tilespmem:s6+$0x13F00] =	vst v0  }
0x2e: {  	[spmem:s16] =	stream.linear.scatter [tilespmem:s30], [sflag:$0x1], $0x2000, $0x38;
	[tilespmem:$0x14700] =	vst v63  }
0x2f: {  	_ =	swait.ge [sflag:s31], $0x2000  }
0x30: {  	[sflag:s31] =	ssyncset.done $0x0  }
0x31: {  	[sflag:s31] =	ssyncadd.s32 $0xFFFFE000  }
0x32: {  	[spmem:s17] =	stream.linear.scatter [tilespmem:s11], [sflag:$0x1], $0x800, $0x38;
	[tilespmem:$0x14700] =	vst v63  }
0x33: {  	_ =	swait.ge [sflag:s31], $0x800  }
0x34: {  	[sflag:s31] =	ssyncset.done $0x0  }
0x35: {  	[sflag:s31] =	ssyncadd.s32 $0xFFFFF800  }
0x36: {  	[spmem:s18] =	stream.linear.scatter [tilespmem:s30], [sflag:$0x1], $0x2000, $0x38;
	[tilespmem:$0x14700] =	vst v63  }
0x37: {  	_ =	swait.ge [sflag:s31], $0x2000  }
0x38: {  	[sflag:s31] =	ssyncset.done $0x0  }
0x39: {  	[sflag:s31] =	ssyncadd.s32 $0xFFFFE000  }
0x3a: {  	[spmem:s19] =	stream.linear.scatter [tilespmem:s11], [sflag:$0x1], $0x800, $0x38;
	[tilespmem:$0x14700] =	vst v63  }
0x3b: {  	_ =	swait.ge [sflag:s31], $0x800  }
0x3c: {  	[sflag:s31] =	ssyncset.done $0x0  }
0x3d: {  	[sflag:s31] =	ssyncadd.s32 $0xFFFFF800  }
0x3e: {  	[spmem:s20] =	stream.linear.scatter [tilespmem:s30], [sflag:$0x1], $0x2000, $0x38;
	[tilespmem:$0x14700] =	vst v63  }
0x3f: {  	_ =	swait.ge [sflag:s31], $0x2000  }
0x40: {  	[sflag:s31] =	ssyncset.done $0x0  }
0x41: {  	[sflag:s31] =	ssyncadd.s32 $0xFFFFE000  }
0x42: {  	[spmem:s21] =	stream.linear.scatter [tilespmem:s11], [sflag:$0x1], $0x800, $0x38;
	[tilespmem:$0x14700] =	vst v63  }
0x43: {  	_ =	swait.ge [sflag:s31], $0x800  }
0x44: {  	[sflag:s31] =	ssyncset.done $0x0  }
0x45: {  	[sflag:s31] =	ssyncadd.s32 $0xFFFFF800  }
0x46: {  	[spmem:s22] =	stream.linear.scatter [tilespmem:s30], [sflag:$0x1], $0x2000, $0x38;
	[tilespmem:$0x14700] =	vst v63  }
0x47: {  	_ =	swait.ge [sflag:s31], $0x2000  }
0x48: {  	[sflag:s31] =	ssyncset.done $0x0  }
0x49: {  	[sflag:s31] =	ssyncadd.s32 $0xFFFFE000  }
0x4a: {  	[spmem:s23] =	stream.linear.scatter [tilespmem:s11], [sflag:$0x1], $0x800, $0x38;
	[tilespmem:$0x14700] =	vst v63  }
0x4b: {  	_ =	swait.ge [sflag:s31], $0x800  }
0x4c: {  	[sflag:s31] =	ssyncset.done $0x0  }
0x4d: {  	[sflag:s31] =	ssyncadd.s32 $0xFFFFF800  }
0x4e: {  	[spmem:s24] =	stream.linear.scatter [tilespmem:s30], [sflag:$0x1], $0x2000, $0x38;
	[tilespmem:$0x14700] =	vst v63  }
0x4f: {  	_ =	swait.ge [sflag:s31], $0x2000  }
0x50: {  	[sflag:s31] =	ssyncset.done $0x0  }
0x51: {  	[sflag:s31] =	ssyncadd.s32 $0xFFFFE000  }
0x52: {  	[spmem:s25] =	stream.linear.scatter [tilespmem:s11], [sflag:$0x1], $0x800, $0x38;
	[tilespmem:$0x14700] =	vst v63  }
0x53: {  	_ =	swait.ge [sflag:s31], $0x800  }
0x54: {  	[sflag:s31] =	ssyncset.done $0x0  }
0x55: {  	[sflag:s31] =	ssyncadd.s32 $0xFFFFF800  }
0x56: {  	s4 =	simm.s32 $0x0;
	s5 =	simm.s32 $0xC800;
	[bflag:$0x0] =	sbarrier.arrive $0xFFFF  }
0x57: {  	[tilespmem:s5], [sflag:$0x1] =	stream.linear.gather [hbm4b:s26+s4], $0x2780, $0x38;
	[tilespmem:$0x14700] =	vst v63  }
0x58: {  	_ =	swait.ge [sflag:s31], $0x2780  }
0x59: {  	[sflag:s31] =	ssyncset.done $0x0  }
0x5a: {  	s6 =	simm.s32 $0xEF80;
	[sflag:s31] =	ssyncadd.s32 $0xFFFFD880  }
0x5b: {  	[tilespmem:s6], [sflag:$0x1] =	stream.linear.gather [hbm4b:s28+s4], $0x2780, $0x38;
	[tilespmem:$0x14700] =	vst v63  }
0x5c: {  	_ =	swait.ge [sflag:s31], $0x2780  }
0x5d: {  	[sflag:s31] =	ssyncset.done $0x0  }
0x5e: {  	s7 =	simm.s32 $0xC800;
	[sflag:s31] =	ssyncadd.s32 $0xFFFFD880  }
0x5f: {  	[tilespmem:s30], [sflag:$0x1] =	stream.indirect.gather [hbm4b:s1+s0], $0x40, s7, s0, $0xb8;
	[tilespmem:$0x14700] =	vst v63  }
0x60: {  	_ =	swait.ge [sflag:s31], $0x2000  }
0x61: {  	[sflag:s31] =	ssyncset.done $0x0  }
0x62: {  	s8 =	simm.s32 $0xEF80;
	[sflag:s31] =	ssyncadd.s32 $0xFFFFE000  }
0x63: {  	[spmem:s12] =	stream.indirect.scatter.add.f32 [tilespmem:s30], [sflag:$0x1], $0x40, s8, s0, $0xb8;
	[tilespmem:$0x14700] =	vst v63  }
0x64: {  	_ =	swait.ge [sflag:s31], $0x2000  }
0x65: {  	[sflag:s31] =	ssyncset.done $0x0  }
0x66: {  	[sflag:s31] =	ssyncadd.s32 $0xFFFFE000  }
0x67: {  	[spmem:s13] =	stream.indirect.scatter.add.f32 [tilespmem:s3], [sflag:$0x1], $0x10, s8, s0, $0xb8;
	[tilespmem:$0x14700] =	vst v63  }
0x68: {  	_ =	swait.ge [sflag:s31], $0x800  }
0x69: {  	s5 =	simm.s32 $0x400;
	s4 =	simm.s32 $0x80;
	[sflag:s31] =	ssyncset.done $0x0  }
.LBB2_4:
0x6a: {  	s6 =	sadd.s32 $0xC800, s4  }
0x6b: {  	[sflag:s31] =	ssyncadd.s32 $0xFFFFF800;
	s7 =	smov.u32 s5;
	s8 =	sadd.s32 $0x200, s5  }
0x6c: {  	[tilespmem:s30], [sflag:$0x1] =	stream.indirect.gather [hbm4b:s1+s0], $0x40, s6, s0, $0xb8;
	[tilespmem:$0x14700] =	vst v63  }
0x6d: {  	p0 =	sne.s32 s5, $0x9C00;
	_ =	swait.ge [sflag:s31], $0x2000  }
0x6e: {  	[sflag:s31] =	ssyncset.done $0x0  }
0x6f: {  	s4 =	sadd.s32 $0xEF80, s4;
	[sflag:s31] =	ssyncadd.s32 $0xFFFFE000  }
0x70: {  	[spmem:s12] =	stream.indirect.scatter.add.f32 [tilespmem:s30], [sflag:$0x1], $0x40, s4, s0, $0xb8;
	[tilespmem:$0x14700] =	vst v63  }
0x71: {  	_ =	swait.ge [sflag:s31], $0x2000  }
.Ltmp1:
0x72: {  	[sflag:s31] =	ssyncset.done $0x0;
	(pc) =	sbr.rel @p0 .LBB2_4-.Ltmp1, $4  }
0x73: {  	[sflag:s31] =	ssyncadd.s32 $0xFFFFE000  }
0x74: {  	[spmem:s13] =	stream.indirect.scatter.add.f32 [tilespmem:s3], [sflag:$0x1], $0x10, s4, s0, $0xb8;
	[tilespmem:$0x14700] =	vst v63  }
0x75: {  	_ =	swait.ge [sflag:s31], $0x800  }
0x76: {  	s5 =	smov.u32 s8;
	s4 =	sshra.s32 s7, $0x2;
	[sflag:s31] =	ssyncset.done $0x0  }
0x77: {  	s5 =	sadd.s32 $0xC800, s4;
	[sflag:s31] =	ssyncadd.s32 $0xFFFFF800  }
0x78: {  	[tilespmem:s30], [sflag:$0x1] =	stream.indirect.gather [hbm4b:s1+s0], $0x40, s5, s0, $0xb8;
	[tilespmem:$0x14700] =	vst v63  }
0x79: {  	_ =	swait.ge [sflag:s31], $0x2000  }
0x7a: {  	[sflag:s31] =	ssyncset.done $0x0  }
0x7b: {  	s6 =	sadd.s32 $0xEF80, s4;
	[sflag:s31] =	ssyncadd.s32 $0xFFFFE000  }
0x7c: {  	[spmem:s12] =	stream.indirect.scatter.add.f32 [tilespmem:s30], [sflag:$0x1], $0x40, s6, s0, $0xb8;
	[tilespmem:$0x14700] =	vst v63  }
0x7d: {  	_ =	swait.ge [sflag:s31], $0x2000  }
0x7e: {  	[sflag:s31] =	ssyncset.done $0x0  }
0x7f: {  	[sflag:s31] =	ssyncadd.s32 $0xFFFFE000  }
0x80: {  	[spmem:s13] =	stream.indirect.scatter.add.f32 [tilespmem:s3], [sflag:$0x1], $0x10, s6, s0, $0xb8;
	[tilespmem:$0x14700] =	vst v63  }
0x81: {  	_ =	swait.ge [sflag:s31], $0x800  }
0x82: {  	[sflag:s31] =	ssyncset.done $0x0  }
0x83: {  	s7 =	stileid.u32;
	[sflag:s31] =	ssyncadd.s32 $0xFFFFF800  }
0x84: {  	s4 =	sshll.u32 s7, $0x6;
	[bflag:$0x0] =	sbarrier.arrive $0xFFFF  }
0x85: {  	s8 =	sshrl.u32 s16, $0x3;
	s4 =	sor.u32 $0x1C01, s4;
	s6 =	rddreg [dreg:$0x5]  }
0x86: {  	[hbm:s6], [sflag:s4] =	dma.local [spmem:s8], $0x400  }
0x87: {  	_ =	swait.ge [sflag:s31], $0x400  }
0x88: {  	[sflag:s31] =	ssyncset.done $0x0  }
0x89: {  	s7 =	sshrl.u32 s17, $0x3;
	s8 =	rddreg [dreg:$0x6];
	[sflag:s31] =	ssyncadd.s32 $0xFFFFFC00  }
0x8a: {  	[hbm:s8], [sflag:s4] =	dma.local [spmem:s7], $0x100  }
0x8b: {  	_ =	swait.ge [sflag:s31], $0x100  }
0x8c: {  	[sflag:s31] =	ssyncset.done $0x0  }
0x8d: {  	s7 =	sshrl.u32 s18, $0x3;
	s8 =	rddreg [dreg:$0x7];
	[sflag:s31] =	ssyncadd.s32 $0xFFFFFF00  }
0x8e: {  	[hbm:s8], [sflag:s4] =	dma.local [spmem:s7], $0x400  }
0x8f: {  	_ =	swait.ge [sflag:s31], $0x400  }
0x90: {  	[sflag:s31] =	ssyncset.done $0x0  }
0x91: {  	s7 =	sshrl.u32 s19, $0x3;
	s8 =	rddreg [dreg:$0x8];
	[sflag:s31] =	ssyncadd.s32 $0xFFFFFC00  }
0x92: {  	[hbm:s8], [sflag:s4] =	dma.local [spmem:s7], $0x100  }
0x93: {  	_ =	swait.ge [sflag:s31], $0x100  }
0x94: {  	[sflag:s31] =	ssyncset.done $0x0  }
0x95: {  	s7 =	sshrl.u32 s20, $0x3;
	s8 =	rddreg [dreg:$0x9];
	[sflag:s31] =	ssyncadd.s32 $0xFFFFFF00  }
0x96: {  	[hbm:s8], [sflag:s4] =	dma.local [spmem:s7], $0x400  }
0x97: {  	_ =	swait.ge [sflag:s31], $0x400  }
0x98: {  	[sflag:s31] =	ssyncset.done $0x0  }
0x99: {  	s6 =	sshrl.u32 s21, $0x3;
	s7 =	rddreg [dreg:$0xa];
	[sflag:s31] =	ssyncadd.s32 $0xFFFFFC00  }
0x9a: {  	[hbm:s7], [sflag:s4] =	dma.local [spmem:s6], $0x100  }
0x9b: {  	_ =	swait.ge [sflag:s31], $0x100  }
0x9c: {  	[sflag:s31] =	ssyncset.done $0x0  }
0x9d: {  	s8 =	sshrl.u32 s22, $0x3;
	[sflag:s31] =	ssyncadd.s32 $0xFFFFFF00  }
0x9e: {  	[hbm:s9], [sflag:s4] =	dma.local [spmem:s8], $0x400  }
0x9f: {  	_ =	swait.ge [sflag:s31], $0x400  }
0xa0: {  	[sflag:s31] =	ssyncset.done $0x0  }
0xa1: {  	s6 =	sshrl.u32 s23, $0x3;
	[sflag:s31] =	ssyncadd.s32 $0xFFFFFC00  }
0xa2: {  	[hbm:s14], [sflag:s4] =	dma.local [spmem:s6], $0x100  }
0xa3: {  	_ =	swait.ge [sflag:s31], $0x100  }
0xa4: {  	[sflag:s31] =	ssyncset.done $0x0  }
0xa5: {  	s7 =	sshrl.u32 s24, $0x3;
	[sflag:s31] =	ssyncadd.s32 $0xFFFFFF00  }
0xa6: {  	[hbm:s10], [sflag:s4] =	dma.local [spmem:s7], $0x400  }
0xa7: {  	s2 =	sadd.s32 $0x1, s2;
	_ =	swait.ge [sflag:s31], $0x400  }
0xa8: {  	p0 =	sne.s32 s2, s29;
	[sflag:s31] =	ssyncset.done $0x0  }
.Ltmp2:
0xa9: {  	s8 =	sshrl.u32 s25, $0x3;
	[sflag:s31] =	ssyncadd.s32 $0xFFFFFC00;
	(pc) =	sbr.rel @p0 .LBB2_1-.Ltmp2, $4  }
0xaa: {  	[hbm:s15], [sflag:s4] =	dma.local [spmem:s8], $0x100  }
0xab: {  	_ =	swait.ge [sflag:s31], $0x100  }
0xac: {  	[sflag:s31] =	ssyncset.done $0x0  }
0xad: {  	[sflag:s31] =	ssyncadd.s32 $0xFFFFFF00  }
0xae: {  	_ =	sfence.sel $0x180000  }
0xaf: {  	[bflag:$0x0] =	sbarrier.arrive $0xFFFF  }
0xb0: {  	_ =	strace $0x90000047  }
0xb1: {  	s0 =	stileid.u32;
	[bflag:$0x2] =	sbarrier.arrive $0xFFFF  }
0xb2: {  	p0 =	sne.s32 s0, $0x0;
	s0 =	rddreg [dreg:$0x4]  }
0xb3: {  	s0 =	sadd.s32 @!p0 $0x100000, s0  }
0xb4: {  	[sflag:s0] =	ssyncadd.tile.s32 @!p0 $0x1;
	_ =	shalt  }
.Lfunc_end2:
_tile_overlayer_lowered:
.L_overlay_start_2:
0xb5: {  	(tag) =	ssettag $0x2  }
0xb6: {  	s0 =	rddreg [dreg:$0x0];
	s2 =	stileid.u32  }
0xb7: {  	s1 =	rddreg [dreg:$0x1];
	p0 =	sne.s32 s2, $0x0  }
0xb8: {  	s3 =	rddreg [dreg:$0x2];
	[bflag:$0x3] =	sbarrier.arrive $0xFFFF;
	s2 =	simm.s32 @!p0 $0x1C01  }
0xb9: {  	[timem:s3], [sflag:s2] =	dma.local @!p0 [hbm:s0], s1  }
0xba: {  	s0 =	simm.s32 @!p0 $0x1  }
0xbb: {  	_ =	swait.ge @!p0 [sflag:s0], s1  }
0xbc: {  	s1 =	ssub.s32 @!p0 $0x0, s1;
	[sflag:s0] =	ssyncset.done @!p0 $0x0  }
0xbd: {  	[sflag:s0] =	ssyncadd.s32 @!p0 s1  }
0xbe: {  	[bflag:$0x3] =	sbarrier.arrive $0xFFFF  }
0xbf: {  	_ =	shalt  }

</sc_bundles>
